<compile_context>
chip_gen: v7x
topology: tpu7x:2x2x1
jax: 0.10.2.dev20260603
libtpu: 0.0.44.dev20260713+nightly
codegen_flags: <defaults>
</compile_context>

<pallas_src>
import functools
import math

import jax
import jax.numpy as jnp
from jax import lax
from jax.experimental import pallas as pl
from jax.experimental.pallas import tpu as pltpu
from jax.experimental.pallas import tpu_sc as plsc

N_NODES = 50000
N_EDGES = 1600000
N_STRUCT = 100
HID = 16

NC = 2
NS = 16
NW = NC * NS
E_PER_W = N_EDGES // NW
CH = 2000
N_CHUNKS = E_PER_W // CH

TAB = 50048
TAB_SL = TAB // NS

SUB = 8
LANE = 1000
EB = SUB * LANE
N_BLK = N_EDGES // EB
E_ROWS = N_EDGES // LANE


def _gather_body(src_hbm, x0_hbm, x1_hbm, x2_hbm,
                 g0_hbm, g1_hbm, g2_hbm,
                 idx_v, b0, b1, b2, sem):
    wid = lax.axis_index("s") * NC + lax.axis_index("c")

    def body(i, carry):
        base = wid * E_PER_W + i * CH
        pltpu.sync_copy(src_hbm.at[pl.ds(base, CH)], idx_v)
        pltpu.async_copy(x0_hbm.at[idx_v], b0, sem).wait()
        pltpu.async_copy(x1_hbm.at[idx_v], b1, sem).wait()
        pltpu.async_copy(x2_hbm.at[idx_v], b2, sem).wait()
        pltpu.sync_copy(b0, g0_hbm.at[pl.ds(base, CH)])
        pltpu.sync_copy(b1, g1_hbm.at[pl.ds(base, CH)])
        pltpu.sync_copy(b2, g2_hbm.at[pl.ds(base, CH)])
        return carry

    lax.fori_loop(0, N_CHUNKS, body, 0)


_sc_gather = functools.partial(
    pl.kernel,
    out_type=[jax.ShapeDtypeStruct((N_EDGES,), jnp.float32)] * 3,
    mesh=plsc.VectorSubcoreMesh(core_axis_name="c", subcore_axis_name="s"),
    scratch_types=[
        pltpu.VMEM((CH,), jnp.int32),
        pltpu.VMEM((CH,), jnp.float32),
        pltpu.VMEM((CH,), jnp.float32),
        pltpu.VMEM((CH,), jnp.float32),
        pltpu.SemaphoreType.DMA,
    ],
)(_gather_body)


EBIN = 128
CORE_OUT = 3 * TAB + EBIN


def _scatter_body(src_hbm, v0_hbm, v1_hbm, v2_hbm, e_hbm, seg_hbm, z_hbm,
                  out_hbm,
                  idx_v, seg_v, b0, b1, b2, be, stage,
                  sh0, sh1, sh2, she, sem):
    cid = lax.axis_index("c")
    sid = lax.axis_index("s")
    wid = sid * NC + cid

    sl = pl.ds(sid * TAB_SL, TAB_SL)
    pltpu.sync_copy(z_hbm.at[sl], stage)
    pltpu.sync_copy(stage, sh0.at[sl])
    pltpu.sync_copy(stage, sh1.at[sl])
    pltpu.sync_copy(stage, sh2.at[sl])

    @pl.when(sid == 0)
    def _init_e():
        pltpu.sync_copy(stage.at[pl.ds(0, EBIN)], she)

    plsc.subcore_barrier()

    def body(i, carry):
        base = wid * E_PER_W + i * CH
        pltpu.sync_copy(src_hbm.at[pl.ds(base, CH)], idx_v)
        pltpu.sync_copy(seg_hbm.at[pl.ds(base, CH)], seg_v)
        pltpu.sync_copy(v0_hbm.at[pl.ds(base, CH)], b0)
        pltpu.sync_copy(v1_hbm.at[pl.ds(base, CH)], b1)
        pltpu.sync_copy(v2_hbm.at[pl.ds(base, CH)], b2)
        pltpu.sync_copy(e_hbm.at[pl.ds(base, CH)], be)
        pltpu.sync_copy(b0, sh0.at[idx_v], add=True)
        pltpu.sync_copy(b1, sh1.at[idx_v], add=True)
        pltpu.sync_copy(b2, sh2.at[idx_v], add=True)
        pltpu.sync_copy(be, she.at[seg_v], add=True)
        return carry

    lax.fori_loop(0, N_CHUNKS, body, 0)

    plsc.subcore_barrier()

    base = cid * CORE_OUT + sid * TAB_SL
    pltpu.sync_copy(sh0.at[sl], stage)
    pltpu.sync_copy(stage, out_hbm.at[pl.ds(base, TAB_SL)])
    pltpu.sync_copy(sh1.at[sl], stage)
    pltpu.sync_copy(stage, out_hbm.at[pl.ds(base + TAB, TAB_SL)])
    pltpu.sync_copy(sh2.at[sl], stage)
    pltpu.sync_copy(stage, out_hbm.at[pl.ds(base + 2 * TAB, TAB_SL)])

    @pl.when(sid == 0)
    def _out_e():
        pltpu.sync_copy(she, stage.at[pl.ds(0, EBIN)])
        pltpu.sync_copy(stage.at[pl.ds(0, EBIN)],
                        out_hbm.at[pl.ds(cid * CORE_OUT + 3 * TAB, EBIN)])


_sc_scatter = functools.partial(
    pl.kernel,
    out_type=jax.ShapeDtypeStruct((NC * CORE_OUT,), jnp.float32),
    mesh=plsc.VectorSubcoreMesh(core_axis_name="c", subcore_axis_name="s"),
    scratch_types=[
        pltpu.VMEM((CH,), jnp.int32),
        pltpu.VMEM((CH,), jnp.int32),
        pltpu.VMEM((CH,), jnp.float32),
        pltpu.VMEM((CH,), jnp.float32),
        pltpu.VMEM((CH,), jnp.float32),
        pltpu.VMEM((CH,), jnp.float32),
        pltpu.VMEM((TAB_SL,), jnp.float32),
        pltpu.VMEM_SHARED((TAB,), jnp.float32),
        pltpu.VMEM_SHARED((TAB,), jnp.float32),
        pltpu.VMEM_SHARED((TAB,), jnp.float32),
        pltpu.VMEM_SHARED((EBIN,), jnp.float32),
        pltpu.SemaphoreType.DMA,
    ],
)(_scatter_body)


_C = 3.0
_A = math.sqrt(2.0 / _C)
_K1 = math.pi / _C
_K2 = 2.0 * math.pi / _C
_K3 = 3.0 * math.pi / _C


def _mlp_body(g0_ref, g1_ref, g2_ref, xn0_ref, xn1_ref, xn2_ref,
              m1_ref, b1_ref, m2_ref, b2_ref, m3_ref, b3_ref,
              v0_ref, v1_ref, v2_ref, e_ref):
    dx = g0_ref[...] - xn0_ref[...]
    dy = g1_ref[...] - xn1_ref[...]
    dz = g2_ref[...] - xn2_ref[...]
    r2 = dx * dx + dy * dy + dz * dz
    r = jnp.sqrt(r2)
    rinv = 1.0 / r

    s1 = jnp.sin(_K1 * r)
    s2 = jnp.sin(_K2 * r)
    s3 = jnp.sin(_K3 * r)
    c1 = jnp.cos(_K1 * r)
    c2 = jnp.cos(_K2 * r)
    c3 = jnp.cos(_K3 * r)

    basis = jnp.concatenate(
        [_A * s1 * rinv, _A * s2 * rinv, _A * s3 * rinv], axis=0)
    dbasis = jnp.concatenate(
        [_A * (_K1 * c1 - s1 * rinv) * rinv,
         _A * (_K2 * c2 - s2 * rinv) * rinv,
         _A * (_K3 * c3 - s3 * rinv) * rinv], axis=0)

    m1 = m1_ref[...]
    m2 = m2_ref[...]
    m3 = m3_ref[...]
    b1 = b1_ref[...]
    b2 = b2_ref[...]
    b3 = b3_ref[...]

    dn = (((1,), (0,)), ((), ()))
    f32 = jnp.float32

    z1 = lax.dot_general(m1, basis, dn, preferred_element_type=f32) + b1
    t1 = lax.dot_general(m1, dbasis, dn, preferred_element_type=f32)
    sig1 = 1.0 / (1.0 + jnp.exp(-z1))
    h1 = z1 * sig1
    d1 = t1 * sig1 * (1.0 + z1 * (1.0 - sig1))

    z2 = lax.dot_general(m2, h1, dn, preferred_element_type=f32) + b2
    t2 = lax.dot_general(m2, d1, dn, preferred_element_type=f32)
    sig2 = 1.0 / (1.0 + jnp.exp(-z2))
    h2 = z2 * sig2
    d2 = t2 * sig2 * (1.0 + z2 * (1.0 - sig2))

    eij = lax.dot_general(m3, h2, dn, preferred_element_type=f32) + b3
    g = lax.dot_general(m3, d2, dn, preferred_element_type=f32)

    w = (-100.0) * g * rinv
    v0_ref[...] = w * dx
    v1_ref[...] = w * dy
    v2_ref[...] = w * dz
    e_ref[...] = 100.0 * eij


def _tc_mlp(g0, g1, g2, xn0, xn1, xn2, M1, B1, M2, B2, M3, B3):
    edge_spec = pl.BlockSpec((SUB, LANE), lambda i: (i, 0))
    full = lambda shape: pl.BlockSpec(shape, lambda i: tuple(0 for _ in shape))
    eout = jax.ShapeDtypeStruct((E_ROWS, LANE), jnp.float32)
    return pl.pallas_call(
        _mlp_body,
        grid=(N_BLK,),
        in_specs=[edge_spec] * 6 + [
            full((HID * SUB, 3 * SUB)), full((HID * SUB, 1)),
            full((HID * SUB, HID * SUB)), full((HID * SUB, 1)),
            full((SUB, HID * SUB)), full((1, 1)),
        ],
        out_specs=[edge_spec] * 4,
        out_shape=[eout, eout, eout, eout],
    )(g0, g1, g2, xn0, xn1, xn2, M1, B1, M2, B2, M3, B3)


def kernel(x, neighlist, xneigh, indices, atoms_per_structure, types, device,
           W1, b1, W2, b2, W3, b3):
    src = neighlist[:, 0]
    x0, x1, x2 = x[:, 0], x[:, 1], x[:, 2]
    xn0, xn1, xn2 = xneigh[:, 0], xneigh[:, 1], xneigh[:, 2]

    g0, g1, g2 = _sc_gather(src, x0, x1, x2)

    def ev(a):
        return a.reshape(E_ROWS, LANE)

    eye8 = jnp.eye(SUB, dtype=jnp.float32)
    ones8 = jnp.ones((SUB, 1), jnp.float32)
    M1 = jnp.kron(W1.T, eye8)
    M2 = jnp.kron(W2.T, eye8)
    M3 = jnp.kron(W3.T, eye8)
    B1 = jnp.kron(b1.reshape(HID, 1), ones8)
    B2 = jnp.kron(b2.reshape(HID, 1), ones8)

    v0, v1, v2, eij = _tc_mlp(
        ev(g0), ev(g1), ev(g2), ev(xn0), ev(xn1), ev(xn2),
        M1, B1, M2, B2, M3, b3.reshape(1, 1))

    zeros_tab = jnp.zeros((TAB,), jnp.float32)
    out = _sc_scatter(src, v0.reshape(-1), v1.reshape(-1), v2.reshape(-1),
                      eij.reshape(-1), indices, zeros_tab)
    out = out.reshape(NC, CORE_OUT)
    acc = out[0] + out[1]
    forces = acc[:3 * TAB].reshape(3, TAB)[:, :N_NODES].T
    etot = acc[3 * TAB:3 * TAB + N_STRUCT]
    return etot, forces

# --- scband reference (transcript-rebuilt; emitter-appended) ---
"""Pipeline reference for scband-fit-torch-87239375716512 (READ-ONLY COPY).

The authoritative reference and input builder live on the scoring server;
editing this copy changes nothing except your own understanding.
"""

import jax, jax.numpy as jnp
import numpy as np
import math

N_NODES = 50000
N_EDGES = 1600000
N_STRUCT = 100
HID = 16

def setup_inputs(seed: int = 0) -> dict:
    key = jax.random.key(seed)
    ks = jax.random.split(key, 12)
    x = jax.random.normal(ks[0], (N_NODES, 3), dtype=jnp.float32)
    neighlist = jax.random.randint(ks[1], (N_EDGES, 2), 0, N_NODES, dtype=jnp.int32)
    xneigh = jax.random.normal(ks[2], (N_EDGES, 3), dtype=jnp.float32)
    indices = jnp.sort(jax.random.randint(ks[3], (N_EDGES,), 0, N_STRUCT, dtype=jnp.int32))
    atoms_per_structure = jax.random.randint(ks[4], (N_STRUCT,), 1, 1000, dtype=jnp.int32)
    types = jax.random.randint(ks[5], (N_NODES,), 0, 1, dtype=jnp.int32)
    device = 0
    W1 = jax.random.normal(ks[6], (3, HID), dtype=jnp.float32) / np.sqrt(3.0)
    b1 = jnp.zeros((HID,), dtype=jnp.float32)
    W2 = jax.random.normal(ks[7], (HID, HID), dtype=jnp.float32) / np.sqrt(HID)
    b2 = jnp.zeros((HID,), dtype=jnp.float32)
    W3 = jax.random.normal(ks[8], (HID, 1), dtype=jnp.float32) / np.sqrt(HID)
    b3 = jnp.zeros((1,), dtype=jnp.float32)
    return {"x": x, "neighlist": neighlist, "xneigh": xneigh, "indices": indices,
            "atoms_per_structure": atoms_per_structure, "types": types, "device": device,
            "W1": W1, "b1": b1, "W2": W2, "b2": b2, "W3": W3, "b3": b3}

def reference(x, neighlist, xneigh, indices, atoms_per_structure, types, device,
              W1, b1, W2, b2, W3, b3):
    S = atoms_per_structure.shape[0]
    src = neighlist[:, 0]
    c = 3.0
    def energy_vec(xx):
        diff = xx[src] - xneigh                       # gather over edges
        rij = jnp.linalg.norm(diff, axis=1)[:, None]  # (E, 1)
        basis = jnp.concatenate(
            [jnp.sqrt(2.0 / c) * jnp.sin(float(n) * jnp.pi / c * rij) / rij
             for n in (1, 2, 3)], axis=1)             # (E, 3) radial Bessel basis
        h = jax.nn.silu(basis @ W1 + b1)
        h = jax.nn.silu(h @ W2 + b2)
        eij = h @ W3 + b3                             # (E, 1) pairwise energies
        etot = jnp.zeros((S,), dtype=xx.dtype).at[indices].add(eij[:, 0])  # scatter-add
        return 100.0 * etot
    predicted_energy_total = energy_vec(x)
    grad_wrt_x = jax.grad(lambda xx: jnp.sum(energy_vec(xx)))(x)
    predicted_forces = -1.0 * grad_wrt_x
    return (predicted_energy_total, predicted_forces)

if __name__ == "__main__":
    import jax
    _d = setup_inputs()
    print(jax.jit(kernel)(*tuple(_d.values())))

</pallas_src>

<mosaic_0001>
#map = affine_map<(d0, d1) -> (0)>
module attributes {stable_mosaic.version = 14 : i64} {
  func.func @_scatter_body(%arg0: i32, %arg1: i32, %arg2: memref<1600000xi32, #tpu.memory_space<hbm>>, %arg3: memref<1600000xf32, #tpu.memory_space<hbm>>, %arg4: memref<1600000xf32, #tpu.memory_space<hbm>>, %arg5: memref<1600000xf32, #tpu.memory_space<hbm>>, %arg6: memref<1600000xf32, #tpu.memory_space<hbm>>, %arg7: memref<1600000xi32, #tpu.memory_space<hbm>>, %arg8: memref<50048xf32, #tpu.memory_space<hbm>>, %arg9: memref<300544xf32, #tpu.memory_space<hbm>>, %arg10: memref<2000xi32, #tpu.memory_space<vmem>>, %arg11: memref<2000xi32, #tpu.memory_space<vmem>>, %arg12: memref<2000xf32, #tpu.memory_space<vmem>>, %arg13: memref<2000xf32, #tpu.memory_space<vmem>>, %arg14: memref<2000xf32, #tpu.memory_space<vmem>>, %arg15: memref<2000xf32, #tpu.memory_space<vmem>>, %arg16: memref<3128xf32, #tpu.memory_space<vmem>>, %arg17: memref<50048xf32, #tpu.memory_space<vmem_shared>>, %arg18: memref<50048xf32, #tpu.memory_space<vmem_shared>>, %arg19: memref<50048xf32, #tpu.memory_space<vmem_shared>>, %arg20: memref<128xf32, #tpu.memory_space<vmem_shared>>, %arg21: memref<!tpu.dma_semaphore, #tpu.memory_space<semaphore_mem>>) attributes {dimension_semantics = [#tpu.dimension_semantics<core_parallel>, #tpu.dimension_semantics<subcore_parallel>], iteration_bounds = array<i64: 2, 16>, scalar_prefetch = 0 : i64, scratch_operands = 12 : i64, tpu.core_type = #tpu.core_type<sc_vector_subcore>, window_params = [{transform_indices = #map}, {transform_indices = #map}, {transform_indices = #map}, {transform_indices = #map}, {transform_indices = #map}, {transform_indices = #map}, {transform_indices = #map}, {transform_indices = #map}]} {
    %mul3A = arith.constant 2 : i32
    %mul3A_0 = arith.muli %arg1, %mul3A : i32
    %add3A = arith.addi %mul3A_0, %arg0 : i32
    %mul3A_1 = arith.constant 3128 : i32
    %mul3A_2 = arith.muli %arg1, %mul3A_1 : i32
    "tpu.region"() ({
      %run_scoped3A = tpu.sem_alloc : memref<!tpu.dma_semaphore, #tpu.memory_space<semaphore_mem>>
      %dma_start3A = tpu.memref_slice %arg8[%mul3A_2] : memref<50048xf32, #tpu.memory_space<hbm>> -> memref<3128xf32, #tpu.memory_space<hbm>>
      %dma_start3A_25 = tpu.memref_slice %arg8[%mul3A_2] : memref<50048xf32, #tpu.memory_space<hbm>> -> memref<3128xf32, #tpu.memory_space<hbm>>
      tpu.enqueue_dma source(%dma_start3A_25 : memref<3128xf32, #tpu.memory_space<hbm>>) target(%arg16 : memref<3128xf32, #tpu.memory_space<vmem>>) target_semaphore(%run_scoped3A : memref<!tpu.dma_semaphore, #tpu.memory_space<semaphore_mem>>)
      %dma_wait3A = tpu.memref_slice %arg8[%mul3A_2] : memref<50048xf32, #tpu.memory_space<hbm>> -> memref<3128xf32, #tpu.memory_space<hbm>>
      %dma_wait3A_26 = tpu.memref_slice %arg8[%mul3A_2] : memref<50048xf32, #tpu.memory_space<hbm>> -> memref<3128xf32, #tpu.memory_space<hbm>>
      tpu.wait_dma2 semaphore(%run_scoped3A : memref<!tpu.dma_semaphore, #tpu.memory_space<semaphore_mem>>) src(%dma_wait3A_26 : memref<3128xf32, #tpu.memory_space<hbm>>) dst(%arg16 : memref<3128xf32, #tpu.memory_space<vmem>>)
      tpu.yield
    }) : () -> ()
    "tpu.region"() ({
      %run_scoped3A = tpu.sem_alloc : memref<!tpu.dma_semaphore, #tpu.memory_space<semaphore_mem>>
      %dma_start3A = tpu.memref_slice %arg17[%mul3A_2] : memref<50048xf32, #tpu.memory_space<vmem_shared>> -> memref<3128xf32, #tpu.memory_space<vmem_shared>>
      %dma_start3A_25 = tpu.memref_slice %arg17[%mul3A_2] : memref<50048xf32, #tpu.memory_space<vmem_shared>> -> memref<3128xf32, #tpu.memory_space<vmem_shared>>
      tpu.enqueue_dma source(%arg16 : memref<3128xf32, #tpu.memory_space<vmem>>) target(%dma_start3A_25 : memref<3128xf32, #tpu.memory_space<vmem_shared>>) target_semaphore(%run_scoped3A : memref<!tpu.dma_semaphore, #tpu.memory_space<semaphore_mem>>)
      %dma_wait3A = tpu.memref_slice %arg17[%mul3A_2] : memref<50048xf32, #tpu.memory_space<vmem_shared>> -> memref<3128xf32, #tpu.memory_space<vmem_shared>>
      %dma_wait3A_26 = tpu.memref_slice %arg17[%mul3A_2] : memref<50048xf32, #tpu.memory_space<vmem_shared>> -> memref<3128xf32, #tpu.memory_space<vmem_shared>>
      tpu.wait_dma2 semaphore(%run_scoped3A : memref<!tpu.dma_semaphore, #tpu.memory_space<semaphore_mem>>) src(%arg16 : memref<3128xf32, #tpu.memory_space<vmem>>) dst(%dma_wait3A_26 : memref<3128xf32, #tpu.memory_space<vmem_shared>>)
      tpu.yield
    }) : () -> ()
    "tpu.region"() ({
      %run_scoped3A = tpu.sem_alloc : memref<!tpu.dma_semaphore, #tpu.memory_space<semaphore_mem>>
      %dma_start3A = tpu.memref_slice %arg18[%mul3A_2] : memref<50048xf32, #tpu.memory_space<vmem_shared>> -> memref<3128xf32, #tpu.memory_space<vmem_shared>>
      %dma_start3A_25 = tpu.memref_slice %arg18[%mul3A_2] : memref<50048xf32, #tpu.memory_space<vmem_shared>> -> memref<3128xf32, #tpu.memory_space<vmem_shared>>
      tpu.enqueue_dma source(%arg16 : memref<3128xf32, #tpu.memory_space<vmem>>) target(%dma_start3A_25 : memref<3128xf32, #tpu.memory_space<vmem_shared>>) target_semaphore(%run_scoped3A : memref<!tpu.dma_semaphore, #tpu.memory_space<semaphore_mem>>)
      %dma_wait3A = tpu.memref_slice %arg18[%mul3A_2] : memref<50048xf32, #tpu.memory_space<vmem_shared>> -> memref<3128xf32, #tpu.memory_space<vmem_shared>>
      %dma_wait3A_26 = tpu.memref_slice %arg18[%mul3A_2] : memref<50048xf32, #tpu.memory_space<vmem_shared>> -> memref<3128xf32, #tpu.memory_space<vmem_shared>>
      tpu.wait_dma2 semaphore(%run_scoped3A : memref<!tpu.dma_semaphore, #tpu.memory_space<semaphore_mem>>) src(%arg16 : memref<3128xf32, #tpu.memory_space<vmem>>) dst(%dma_wait3A_26 : memref<3128xf32, #tpu.memory_space<vmem_shared>>)
      tpu.yield
    }) : () -> ()
    "tpu.region"() ({
      %run_scoped3A = tpu.sem_alloc : memref<!tpu.dma_semaphore, #tpu.memory_space<semaphore_mem>>
      %dma_start3A = tpu.memref_slice %arg19[%mul3A_2] : memref<50048xf32, #tpu.memory_space<vmem_shared>> -> memref<3128xf32, #tpu.memory_space<vmem_shared>>
      %dma_start3A_25 = tpu.memref_slice %arg19[%mul3A_2] : memref<50048xf32, #tpu.memory_space<vmem_shared>> -> memref<3128xf32, #tpu.memory_space<vmem_shared>>
      tpu.enqueue_dma source(%arg16 : memref<3128xf32, #tpu.memory_space<vmem>>) target(%dma_start3A_25 : memref<3128xf32, #tpu.memory_space<vmem_shared>>) target_semaphore(%run_scoped3A : memref<!tpu.dma_semaphore, #tpu.memory_space<semaphore_mem>>)
      %dma_wait3A = tpu.memref_slice %arg19[%mul3A_2] : memref<50048xf32, #tpu.memory_space<vmem_shared>> -> memref<3128xf32, #tpu.memory_space<vmem_shared>>
      %dma_wait3A_26 = tpu.memref_slice %arg19[%mul3A_2] : memref<50048xf32, #tpu.memory_space<vmem_shared>> -> memref<3128xf32, #tpu.memory_space<vmem_shared>>
      tpu.wait_dma2 semaphore(%run_scoped3A : memref<!tpu.dma_semaphore, #tpu.memory_space<semaphore_mem>>) src(%arg16 : memref<3128xf32, #tpu.memory_space<vmem>>) dst(%dma_wait3A_26 : memref<3128xf32, #tpu.memory_space<vmem_shared>>)
      tpu.yield
    }) : () -> ()
    %eq3A = arith.constant 0 : i32
    %eq3A_3 = arith.cmpi eq, %arg1, %eq3A : i32
    %convert_element_type3A = arith.extui %eq3A_3 : i1 to i32
    %cond3A = arith.constant 0 : i32
    %cond3A_4 = arith.cmpi ne, %convert_element_type3A, %cond3A : i32
    scf.if %cond3A_4 {
      "tpu.region"() ({
        %run_scoped3A = tpu.sem_alloc : memref<!tpu.dma_semaphore, #tpu.memory_space<semaphore_mem>>
        %dma_start3A = arith.constant 0 : i32
        %dma_start3A_25 = tpu.memref_slice %arg16[%dma_start3A] : memref<3128xf32, #tpu.memory_space<vmem>> -> memref<128xf32, #tpu.memory_space<vmem>>
        %dma_start3A_26 = arith.constant 0 : i32
        %dma_start3A_27 = tpu.memref_slice %arg16[%dma_start3A_26] : memref<3128xf32, #tpu.memory_space<vmem>> -> memref<128xf32, #tpu.memory_space<vmem>>
        tpu.enqueue_dma source(%dma_start3A_27 : memref<128xf32, #tpu.memory_space<vmem>>) target(%arg20 : memref<128xf32, #tpu.memory_space<vmem_shared>>) target_semaphore(%run_scoped3A : memref<!tpu.dma_semaphore, #tpu.memory_space<semaphore_mem>>)
        %dma_wait3A = arith.constant 0 : i32
        %dma_wait3A_28 = tpu.memref_slice %arg16[%dma_wait3A] : memref<3128xf32, #tpu.memory_space<vmem>> -> memref<128xf32, #tpu.memory_space<vmem>>
        %dma_wait3A_29 = arith.constant 0 : i32
        %dma_wait3A_30 = tpu.memref_slice %arg16[%dma_wait3A_29] : memref<3128xf32, #tpu.memory_space<vmem>> -> memref<128xf32, #tpu.memory_space<vmem>>
        tpu.wait_dma2 semaphore(%run_scoped3A : memref<!tpu.dma_semaphore, #tpu.memory_space<semaphore_mem>>) src(%dma_wait3A_30 : memref<128xf32, #tpu.memory_space<vmem>>) dst(%arg20 : memref<128xf32, #tpu.memory_space<vmem_shared>>)
        tpu.yield
      }) : () -> ()
    } else {
    }
    %barrier3A = arith.constant 0 : index
    tpu.barrier barrier_id(%barrier3A)
    %scan3A = arith.constant 0 : i32
    %scan3A_5 = arith.constant 0 : i32
    %scan3A_6 = arith.constant 25 : i32
    %scan3A_7 = arith.addi %scan3A_5, %scan3A_6 : i32
    %scan3A_8 = arith.constant 1 : i32
    scf.for %scan3A_25 = %scan3A_5 to %scan3A_7 step %scan3A_8  : i32 {
      %mul3A_26 = arith.constant 50000 : i32
      %mul3A_27 = arith.muli %add3A, %mul3A_26 : i32
      %mul3A_28 = arith.constant 2000 : i32
      %mul3A_29 = arith.muli %scan3A_25, %mul3A_28 : i32
      %add3A_30 = arith.addi %mul3A_27, %mul3A_29 : i32
      "tpu.region"() ({
        %run_scoped3A = tpu.sem_alloc : memref<!tpu.dma_semaphore, #tpu.memory_space<semaphore_mem>>
        %dma_start3A = tpu.memref_slice %arg2[%add3A_30] : memref<1600000xi32, #tpu.memory_space<hbm>> -> memref<2000xi32, #tpu.memory_space<hbm>>
        %dma_start3A_31 = tpu.memref_slice %arg2[%add3A_30] : memref<1600000xi32, #tpu.memory_space<hbm>> -> memref<2000xi32, #tpu.memory_space<hbm>>
        tpu.enqueue_dma source(%dma_start3A_31 : memref<2000xi32, #tpu.memory_space<hbm>>) target(%arg10 : memref<2000xi32, #tpu.memory_space<vmem>>) target_semaphore(%run_scoped3A : memref<!tpu.dma_semaphore, #tpu.memory_space<semaphore_mem>>)
        %dma_wait3A = tpu.memref_slice %arg2[%add3A_30] : memref<1600000xi32, #tpu.memory_space<hbm>> -> memref<2000xi32, #tpu.memory_space<hbm>>
        %dma_wait3A_32 = tpu.memref_slice %arg2[%add3A_30] : memref<1600000xi32, #tpu.memory_space<hbm>> -> memref<2000xi32, #tpu.memory_space<hbm>>
        tpu.wait_dma2 semaphore(%run_scoped3A : memref<!tpu.dma_semaphore, #tpu.memory_space<semaphore_mem>>) src(%dma_wait3A_32 : memref<2000xi32, #tpu.memory_space<hbm>>) dst(%arg10 : memref<2000xi32, #tpu.memory_space<vmem>>)
        tpu.yield
      }) : () -> ()
      "tpu.region"() ({
        %run_scoped3A = tpu.sem_alloc : memref<!tpu.dma_semaphore, #tpu.memory_space<semaphore_mem>>
        %dma_start3A = tpu.memref_slice %arg7[%add3A_30] : memref<1600000xi32, #tpu.memory_space<hbm>> -> memref<2000xi32, #tpu.memory_space<hbm>>
        %dma_start3A_31 = tpu.memref_slice %arg7[%add3A_30] : memref<1600000xi32, #tpu.memory_space<hbm>> -> memref<2000xi32, #tpu.memory_space<hbm>>
        tpu.enqueue_dma source(%dma_start3A_31 : memref<2000xi32, #tpu.memory_space<hbm>>) target(%arg11 : memref<2000xi32, #tpu.memory_space<vmem>>) target_semaphore(%run_scoped3A : memref<!tpu.dma_semaphore, #tpu.memory_space<semaphore_mem>>)
        %dma_wait3A = tpu.memref_slice %arg7[%add3A_30] : memref<1600000xi32, #tpu.memory_space<hbm>> -> memref<2000xi32, #tpu.memory_space<hbm>>
        %dma_wait3A_32 = tpu.memref_slice %arg7[%add3A_30] : memref<1600000xi32, #tpu.memory_space<hbm>> -> memref<2000xi32, #tpu.memory_space<hbm>>
        tpu.wait_dma2 semaphore(%run_scoped3A : memref<!tpu.dma_semaphore, #tpu.memory_space<semaphore_mem>>) src(%dma_wait3A_32 : memref<2000xi32, #tpu.memory_space<hbm>>) dst(%arg11 : memref<2000xi32, #tpu.memory_space<vmem>>)
        tpu.yield
      }) : () -> ()
      "tpu.region"() ({
        %run_scoped3A = tpu.sem_alloc : memref<!tpu.dma_semaphore, #tpu.memory_space<semaphore_mem>>
        %dma_start3A = tpu.memref_slice %arg3[%add3A_30] : memref<1600000xf32, #tpu.memory_space<hbm>> -> memref<2000xf32, #tpu.memory_space<hbm>>
        %dma_start3A_31 = tpu.memref_slice %arg3[%add3A_30] : memref<1600000xf32, #tpu.memory_space<hbm>> -> memref<2000xf32, #tpu.memory_space<hbm>>
        tpu.enqueue_dma source(%dma_start3A_31 : memref<2000xf32, #tpu.memory_space<hbm>>) target(%arg12 : memref<2000xf32, #tpu.memory_space<vmem>>) target_semaphore(%run_scoped3A : memref<!tpu.dma_semaphore, #tpu.memory_space<semaphore_mem>>)
        %dma_wait3A = tpu.memref_slice %arg3[%add3A_30] : memref<1600000xf32, #tpu.memory_space<hbm>> -> memref<2000xf32, #tpu.memory_space<hbm>>
        %dma_wait3A_32 = tpu.memref_slice %arg3[%add3A_30] : memref<1600000xf32, #tpu.memory_space<hbm>> -> memref<2000xf32, #tpu.memory_space<hbm>>
        tpu.wait_dma2 semaphore(%run_scoped3A : memref<!tpu.dma_semaphore, #tpu.memory_space<semaphore_mem>>) src(%dma_wait3A_32 : memref<2000xf32, #tpu.memory_space<hbm>>) dst(%arg12 : memref<2000xf32, #tpu.memory_space<vmem>>)
        tpu.yield
      }) : () -> ()
      "tpu.region"() ({
        %run_scoped3A = tpu.sem_alloc : memref<!tpu.dma_semaphore, #tpu.memory_space<semaphore_mem>>
        %dma_start3A = tpu.memref_slice %arg4[%add3A_30] : memref<1600000xf32, #tpu.memory_space<hbm>> -> memref<2000xf32, #tpu.memory_space<hbm>>
        %dma_start3A_31 = tpu.memref_slice %arg4[%add3A_30] : memref<1600000xf32, #tpu.memory_space<hbm>> -> memref<2000xf32, #tpu.memory_space<hbm>>
        tpu.enqueue_dma source(%dma_start3A_31 : memref<2000xf32, #tpu.memory_space<hbm>>) target(%arg13 : memref<2000xf32, #tpu.memory_space<vmem>>) target_semaphore(%run_scoped3A : memref<!tpu.dma_semaphore, #tpu.memory_space<semaphore_mem>>)
        %dma_wait3A = tpu.memref_slice %arg4[%add3A_30] : memref<1600000xf32, #tpu.memory_space<hbm>> -> memref<2000xf32, #tpu.memory_space<hbm>>
        %dma_wait3A_32 = tpu.memref_slice %arg4[%add3A_30] : memref<1600000xf32, #tpu.memory_space<hbm>> -> memref<2000xf32, #tpu.memory_space<hbm>>
        tpu.wait_dma2 semaphore(%run_scoped3A : memref<!tpu.dma_semaphore, #tpu.memory_space<semaphore_mem>>) src(%dma_wait3A_32 : memref<2000xf32, #tpu.memory_space<hbm>>) dst(%arg13 : memref<2000xf32, #tpu.memory_space<vmem>>)
        tpu.yield
      }) : () -> ()
      "tpu.region"() ({
        %run_scoped3A = tpu.sem_alloc : memref<!tpu.dma_semaphore, #tpu.memory_space<semaphore_mem>>
        %dma_start3A = tpu.memref_slice %arg5[%add3A_30] : memref<1600000xf32, #tpu.memory_space<hbm>> -> memref<2000xf32, #tpu.memory_space<hbm>>
        %dma_start3A_31 = tpu.memref_slice %arg5[%add3A_30] : memref<1600000xf32, #tpu.memory_space<hbm>> -> memref<2000xf32, #tpu.memory_space<hbm>>
        tpu.enqueue_dma source(%dma_start3A_31 : memref<2000xf32, #tpu.memory_space<hbm>>) target(%arg14 : memref<2000xf32, #tpu.memory_space<vmem>>) target_semaphore(%run_scoped3A : memref<!tpu.dma_semaphore, #tpu.memory_space<semaphore_mem>>)
        %dma_wait3A = tpu.memref_slice %arg5[%add3A_30] : memref<1600000xf32, #tpu.memory_space<hbm>> -> memref<2000xf32, #tpu.memory_space<hbm>>
        %dma_wait3A_32 = tpu.memref_slice %arg5[%add3A_30] : memref<1600000xf32, #tpu.memory_space<hbm>> -> memref<2000xf32, #tpu.memory_space<hbm>>
        tpu.wait_dma2 semaphore(%run_scoped3A : memref<!tpu.dma_semaphore, #tpu.memory_space<semaphore_mem>>) src(%dma_wait3A_32 : memref<2000xf32, #tpu.memory_space<hbm>>) dst(%arg14 : memref<2000xf32, #tpu.memory_space<vmem>>)
        tpu.yield
      }) : () -> ()
      "tpu.region"() ({
        %run_scoped3A = tpu.sem_alloc : memref<!tpu.dma_semaphore, #tpu.memory_space<semaphore_mem>>
        %dma_start3A = tpu.memref_slice %arg6[%add3A_30] : memref<1600000xf32, #tpu.memory_space<hbm>> -> memref<2000xf32, #tpu.memory_space<hbm>>
        %dma_start3A_31 = tpu.memref_slice %arg6[%add3A_30] : memref<1600000xf32, #tpu.memory_space<hbm>> -> memref<2000xf32, #tpu.memory_space<hbm>>
        tpu.enqueue_dma source(%dma_start3A_31 : memref<2000xf32, #tpu.memory_space<hbm>>) target(%arg15 : memref<2000xf32, #tpu.memory_space<vmem>>) target_semaphore(%run_scoped3A : memref<!tpu.dma_semaphore, #tpu.memory_space<semaphore_mem>>)
        %dma_wait3A = tpu.memref_slice %arg6[%add3A_30] : memref<1600000xf32, #tpu.memory_space<hbm>> -> memref<2000xf32, #tpu.memory_space<hbm>>
        %dma_wait3A_32 = tpu.memref_slice %arg6[%add3A_30] : memref<1600000xf32, #tpu.memory_space<hbm>> -> memref<2000xf32, #tpu.memory_space<hbm>>
        tpu.wait_dma2 semaphore(%run_scoped3A : memref<!tpu.dma_semaphore, #tpu.memory_space<semaphore_mem>>) src(%dma_wait3A_32 : memref<2000xf32, #tpu.memory_space<hbm>>) dst(%arg15 : memref<2000xf32, #tpu.memory_space<vmem>>)
        tpu.yield
      }) : () -> ()
      "tpu.region"() ({
        %run_scoped3A = tpu.sem_alloc : memref<!tpu.dma_semaphore, #tpu.memory_space<semaphore_mem>>
        %dma_start3A = arith.constant 0 : i32
        %dma_start3A_31 = tpu.memref_slice %arg17[%dma_start3A] : memref<50048xf32, #tpu.memory_space<vmem_shared>> -> memref<50048xf32, #tpu.memory_space<vmem_shared>>
        tpu.enqueue_indirect_dma source(%arg12 : memref<2000xf32, #tpu.memory_space<vmem>>) target(%dma_start3A_31 : memref<50048xf32, #tpu.memory_space<vmem_shared>>) offsets(%arg10 : memref<2000xi32, #tpu.memory_space<vmem>>) semaphore(%run_scoped3A : memref<!tpu.dma_semaphore, #tpu.memory_space<semaphore_mem>>) {add = true}
        %dma_wait3A = arith.constant 0 : i32
        %dma_wait3A_32 = tpu.memref_slice %arg17[%dma_wait3A] : memref<50048xf32, #tpu.memory_space<vmem_shared>> -> memref<50048xf32, #tpu.memory_space<vmem_shared>>
        tpu.wait_indirect_dma semaphore(%run_scoped3A : memref<!tpu.dma_semaphore, #tpu.memory_space<semaphore_mem>>) src(%arg12 : memref<2000xf32, #tpu.memory_space<vmem>>) dst(%dma_wait3A_32 : memref<50048xf32, #tpu.memory_space<vmem_shared>>)
        tpu.yield
      }) : () -> ()
      "tpu.region"() ({
        %run_scoped3A = tpu.sem_alloc : memref<!tpu.dma_semaphore, #tpu.memory_space<semaphore_mem>>
        %dma_start3A = arith.constant 0 : i32
        %dma_start3A_31 = tpu.memref_slice %arg18[%dma_start3A] : memref<50048xf32, #tpu.memory_space<vmem_shared>> -> memref<50048xf32, #tpu.memory_space<vmem_shared>>
        tpu.enqueue_indirect_dma source(%arg13 : memref<2000xf32, #tpu.memory_space<vmem>>) target(%dma_start3A_31 : memref<50048xf32, #tpu.memory_space<vmem_shared>>) offsets(%arg10 : memref<2000xi32, #tpu.memory_space<vmem>>) semaphore(%run_scoped3A : memref<!tpu.dma_semaphore, #tpu.memory_space<semaphore_mem>>) {add = true}
        %dma_wait3A = arith.constant 0 : i32
        %dma_wait3A_32 = tpu.memref_slice %arg18[%dma_wait3A] : memref<50048xf32, #tpu.memory_space<vmem_shared>> -> memref<50048xf32, #tpu.memory_space<vmem_shared>>
        tpu.wait_indirect_dma semaphore(%run_scoped3A : memref<!tpu.dma_semaphore, #tpu.memory_space<semaphore_mem>>) src(%arg13 : memref<2000xf32, #tpu.memory_space<vmem>>) dst(%dma_wait3A_32 : memref<50048xf32, #tpu.memory_space<vmem_shared>>)
        tpu.yield
      }) : () -> ()
      "tpu.region"() ({
        %run_scoped3A = tpu.sem_alloc : memref<!tpu.dma_semaphore, #tpu.memory_space<semaphore_mem>>
        %dma_start3A = arith.constant 0 : i32
        %dma_start3A_31 = tpu.memref_slice %arg19[%dma_start3A] : memref<50048xf32, #tpu.memory_space<vmem_shared>> -> memref<50048xf32, #tpu.memory_space<vmem_shared>>
        tpu.enqueue_indirect_dma source(%arg14 : memref<2000xf32, #tpu.memory_space<vmem>>) target(%dma_start3A_31 : memref<50048xf32, #tpu.memory_space<vmem_shared>>) offsets(%arg10 : memref<2000xi32, #tpu.memory_space<vmem>>) semaphore(%run_scoped3A : memref<!tpu.dma_semaphore, #tpu.memory_space<semaphore_mem>>) {add = true}
        %dma_wait3A = arith.constant 0 : i32
        %dma_wait3A_32 = tpu.memref_slice %arg19[%dma_wait3A] : memref<50048xf32, #tpu.memory_space<vmem_shared>> -> memref<50048xf32, #tpu.memory_space<vmem_shared>>
        tpu.wait_indirect_dma semaphore(%run_scoped3A : memref<!tpu.dma_semaphore, #tpu.memory_space<semaphore_mem>>) src(%arg14 : memref<2000xf32, #tpu.memory_space<vmem>>) dst(%dma_wait3A_32 : memref<50048xf32, #tpu.memory_space<vmem_shared>>)
        tpu.yield
      }) : () -> ()
      "tpu.region"() ({
        %run_scoped3A = tpu.sem_alloc : memref<!tpu.dma_semaphore, #tpu.memory_space<semaphore_mem>>
        %dma_start3A = arith.constant 0 : i32
        %dma_start3A_31 = tpu.memref_slice %arg20[%dma_start3A] : memref<128xf32, #tpu.memory_space<vmem_shared>> -> memref<128xf32, #tpu.memory_space<vmem_shared>>
        tpu.enqueue_indirect_dma source(%arg15 : memref<2000xf32, #tpu.memory_space<vmem>>) target(%dma_start3A_31 : memref<128xf32, #tpu.memory_space<vmem_shared>>) offsets(%arg11 : memref<2000xi32, #tpu.memory_space<vmem>>) semaphore(%run_scoped3A : memref<!tpu.dma_semaphore, #tpu.memory_space<semaphore_mem>>) {add = true}
        %dma_wait3A = arith.constant 0 : i32
        %dma_wait3A_32 = tpu.memref_slice %arg20[%dma_wait3A] : memref<128xf32, #tpu.memory_space<vmem_shared>> -> memref<128xf32, #tpu.memory_space<vmem_shared>>
        tpu.wait_indirect_dma semaphore(%run_scoped3A : memref<!tpu.dma_semaphore, #tpu.memory_space<semaphore_mem>>) src(%arg15 : memref<2000xf32, #tpu.memory_space<vmem>>) dst(%dma_wait3A_32 : memref<128xf32, #tpu.memory_space<vmem_shared>>)
        tpu.yield
      }) : () -> ()
    }
    %scan3A_9 = arith.constant 25 : i32
    %barrier3A_10 = arith.constant 0 : index
    tpu.barrier barrier_id(%barrier3A_10)
    %mul3A_11 = arith.constant 150272 : i32
    %mul3A_12 = arith.muli %arg0, %mul3A_11 : i32
    %mul3A_13 = arith.constant 3128 : i32
    %mul3A_14 = arith.muli %arg1, %mul3A_13 : i32
    %add3A_15 = arith.addi %mul3A_12, %mul3A_14 : i32
    "tpu.region"() ({
      %run_scoped3A = tpu.sem_alloc : memref<!tpu.dma_semaphore, #tpu.memory_space<semaphore_mem>>
      %dma_start3A = tpu.memref_slice %arg17[%mul3A_2] : memref<50048xf32, #tpu.memory_space<vmem_shared>> -> memref<3128xf32, #tpu.memory_space<vmem_shared>>
      %dma_start3A_25 = tpu.memref_slice %arg17[%mul3A_2] : memref<50048xf32, #tpu.memory_space<vmem_shared>> -> memref<3128xf32, #tpu.memory_space<vmem_shared>>
      tpu.enqueue_dma source(%dma_start3A_25 : memref<3128xf32, #tpu.memory_space<vmem_shared>>) target(%arg16 : memref<3128xf32, #tpu.memory_space<vmem>>) target_semaphore(%run_scoped3A : memref<!tpu.dma_semaphore, #tpu.memory_space<semaphore_mem>>)
      %dma_wait3A = tpu.memref_slice %arg17[%mul3A_2] : memref<50048xf32, #tpu.memory_space<vmem_shared>> -> memref<3128xf32, #tpu.memory_space<vmem_shared>>
      %dma_wait3A_26 = tpu.memref_slice %arg17[%mul3A_2] : memref<50048xf32, #tpu.memory_space<vmem_shared>> -> memref<3128xf32, #tpu.memory_space<vmem_shared>>
      tpu.wait_dma2 semaphore(%run_scoped3A : memref<!tpu.dma_semaphore, #tpu.memory_space<semaphore_mem>>) src(%dma_wait3A_26 : memref<3128xf32, #tpu.memory_space<vmem_shared>>) dst(%arg16 : memref<3128xf32, #tpu.memory_space<vmem>>)
      tpu.yield
    }) : () -> ()
    "tpu.region"() ({
      %run_scoped3A = tpu.sem_alloc : memref<!tpu.dma_semaphore, #tpu.memory_space<semaphore_mem>>
      %dma_start3A = tpu.memref_slice %arg9[%add3A_15] : memref<300544xf32, #tpu.memory_space<hbm>> -> memref<3128xf32, #tpu.memory_space<hbm>>
      %dma_start3A_25 = tpu.memref_slice %arg9[%add3A_15] : memref<300544xf32, #tpu.memory_space<hbm>> -> memref<3128xf32, #tpu.memory_space<hbm>>
      tpu.enqueue_dma source(%arg16 : memref<3128xf32, #tpu.memory_space<vmem>>) target(%dma_start3A_25 : memref<3128xf32, #tpu.memory_space<hbm>>) target_semaphore(%run_scoped3A : memref<!tpu.dma_semaphore, #tpu.memory_space<semaphore_mem>>)
      %dma_wait3A = tpu.memref_slice %arg9[%add3A_15] : memref<300544xf32, #tpu.memory_space<hbm>> -> memref<3128xf32, #tpu.memory_space<hbm>>
      %dma_wait3A_26 = tpu.memref_slice %arg9[%add3A_15] : memref<300544xf32, #tpu.memory_space<hbm>> -> memref<3128xf32, #tpu.memory_space<hbm>>
      tpu.wait_dma2 semaphore(%run_scoped3A : memref<!tpu.dma_semaphore, #tpu.memory_space<semaphore_mem>>) src(%arg16 : memref<3128xf32, #tpu.memory_space<vmem>>) dst(%dma_wait3A_26 : memref<3128xf32, #tpu.memory_space<hbm>>)
      tpu.yield
    }) : () -> ()
    "tpu.region"() ({
      %run_scoped3A = tpu.sem_alloc : memref<!tpu.dma_semaphore, #tpu.memory_space<semaphore_mem>>
      %dma_start3A = tpu.memref_slice %arg18[%mul3A_2] : memref<50048xf32, #tpu.memory_space<vmem_shared>> -> memref<3128xf32, #tpu.memory_space<vmem_shared>>
      %dma_start3A_25 = tpu.memref_slice %arg18[%mul3A_2] : memref<50048xf32, #tpu.memory_space<vmem_shared>> -> memref<3128xf32, #tpu.memory_space<vmem_shared>>
      tpu.enqueue_dma source(%dma_start3A_25 : memref<3128xf32, #tpu.memory_space<vmem_shared>>) target(%arg16 : memref<3128xf32, #tpu.memory_space<vmem>>) target_semaphore(%run_scoped3A : memref<!tpu.dma_semaphore, #tpu.memory_space<semaphore_mem>>)
      %dma_wait3A = tpu.memref_slice %arg18[%mul3A_2] : memref<50048xf32, #tpu.memory_space<vmem_shared>> -> memref<3128xf32, #tpu.memory_space<vmem_shared>>
      %dma_wait3A_26 = tpu.memref_slice %arg18[%mul3A_2] : memref<50048xf32, #tpu.memory_space<vmem_shared>> -> memref<3128xf32, #tpu.memory_space<vmem_shared>>
      tpu.wait_dma2 semaphore(%run_scoped3A : memref<!tpu.dma_semaphore, #tpu.memory_space<semaphore_mem>>) src(%dma_wait3A_26 : memref<3128xf32, #tpu.memory_space<vmem_shared>>) dst(%arg16 : memref<3128xf32, #tpu.memory_space<vmem>>)
      tpu.yield
    }) : () -> ()
    %add3A_16 = arith.constant 50048 : i32
    %add3A_17 = arith.addi %add3A_15, %add3A_16 : i32
    "tpu.region"() ({
      %run_scoped3A = tpu.sem_alloc : memref<!tpu.dma_semaphore, #tpu.memory_space<semaphore_mem>>
      %dma_start3A = tpu.memref_slice %arg9[%add3A_17] : memref<300544xf32, #tpu.memory_space<hbm>> -> memref<3128xf32, #tpu.memory_space<hbm>>
      %dma_start3A_25 = tpu.memref_slice %arg9[%add3A_17] : memref<300544xf32, #tpu.memory_space<hbm>> -> memref<3128xf32, #tpu.memory_space<hbm>>
      tpu.enqueue_dma source(%arg16 : memref<3128xf32, #tpu.memory_space<vmem>>) target(%dma_start3A_25 : memref<3128xf32, #tpu.memory_space<hbm>>) target_semaphore(%run_scoped3A : memref<!tpu.dma_semaphore, #tpu.memory_space<semaphore_mem>>)
      %dma_wait3A = tpu.memref_slice %arg9[%add3A_17] : memref<300544xf32, #tpu.memory_space<hbm>> -> memref<3128xf32, #tpu.memory_space<hbm>>
      %dma_wait3A_26 = tpu.memref_slice %arg9[%add3A_17] : memref<300544xf32, #tpu.memory_space<hbm>> -> memref<3128xf32, #tpu.memory_space<hbm>>
      tpu.wait_dma2 semaphore(%run_scoped3A : memref<!tpu.dma_semaphore, #tpu.memory_space<semaphore_mem>>) src(%arg16 : memref<3128xf32, #tpu.memory_space<vmem>>) dst(%dma_wait3A_26 : memref<3128xf32, #tpu.memory_space<hbm>>)
      tpu.yield
    }) : () -> ()
    "tpu.region"() ({
      %run_scoped3A = tpu.sem_alloc : memref<!tpu.dma_semaphore, #tpu.memory_space<semaphore_mem>>
      %dma_start3A = tpu.memref_slice %arg19[%mul3A_2] : memref<50048xf32, #tpu.memory_space<vmem_shared>> -> memref<3128xf32, #tpu.memory_space<vmem_shared>>
      %dma_start3A_25 = tpu.memref_slice %arg19[%mul3A_2] : memref<50048xf32, #tpu.memory_space<vmem_shared>> -> memref<3128xf32, #tpu.memory_space<vmem_shared>>
      tpu.enqueue_dma source(%dma_start3A_25 : memref<3128xf32, #tpu.memory_space<vmem_shared>>) target(%arg16 : memref<3128xf32, #tpu.memory_space<vmem>>) target_semaphore(%run_scoped3A : memref<!tpu.dma_semaphore, #tpu.memory_space<semaphore_mem>>)
      %dma_wait3A = tpu.memref_slice %arg19[%mul3A_2] : memref<50048xf32, #tpu.memory_space<vmem_shared>> -> memref<3128xf32, #tpu.memory_space<vmem_shared>>
      %dma_wait3A_26 = tpu.memref_slice %arg19[%mul3A_2] : memref<50048xf32, #tpu.memory_space<vmem_shared>> -> memref<3128xf32, #tpu.memory_space<vmem_shared>>
      tpu.wait_dma2 semaphore(%run_scoped3A : memref<!tpu.dma_semaphore, #tpu.memory_space<semaphore_mem>>) src(%dma_wait3A_26 : memref<3128xf32, #tpu.memory_space<vmem_shared>>) dst(%arg16 : memref<3128xf32, #tpu.memory_space<vmem>>)
      tpu.yield
    }) : () -> ()
    %add3A_18 = arith.constant 100096 : i32
    %add3A_19 = arith.addi %add3A_15, %add3A_18 : i32
    "tpu.region"() ({
      %run_scoped3A = tpu.sem_alloc : memref<!tpu.dma_semaphore, #tpu.memory_space<semaphore_mem>>
      %dma_start3A = tpu.memref_slice %arg9[%add3A_19] : memref<300544xf32, #tpu.memory_space<hbm>> -> memref<3128xf32, #tpu.memory_space<hbm>>
      %dma_start3A_25 = tpu.memref_slice %arg9[%add3A_19] : memref<300544xf32, #tpu.memory_space<hbm>> -> memref<3128xf32, #tpu.memory_space<hbm>>
      tpu.enqueue_dma source(%arg16 : memref<3128xf32, #tpu.memory_space<vmem>>) target(%dma_start3A_25 : memref<3128xf32, #tpu.memory_space<hbm>>) target_semaphore(%run_scoped3A : memref<!tpu.dma_semaphore, #tpu.memory_space<semaphore_mem>>)
      %dma_wait3A = tpu.memref_slice %arg9[%add3A_19] : memref<300544xf32, #tpu.memory_space<hbm>> -> memref<3128xf32, #tpu.memory_space<hbm>>
      %dma_wait3A_26 = tpu.memref_slice %arg9[%add3A_19] : memref<300544xf32, #tpu.memory_space<hbm>> -> memref<3128xf32, #tpu.memory_space<hbm>>
      tpu.wait_dma2 semaphore(%run_scoped3A : memref<!tpu.dma_semaphore, #tpu.memory_space<semaphore_mem>>) src(%arg16 : memref<3128xf32, #tpu.memory_space<vmem>>) dst(%dma_wait3A_26 : memref<3128xf32, #tpu.memory_space<hbm>>)
      tpu.yield
    }) : () -> ()
    %eq3A_20 = arith.constant 0 : i32
    %eq3A_21 = arith.cmpi eq, %arg1, %eq3A_20 : i32
    %convert_element_type3A_22 = arith.extui %eq3A_21 : i1 to i32
    %cond3A_23 = arith.constant 0 : i32
    %cond3A_24 = arith.cmpi ne, %convert_element_type3A_22, %cond3A_23 : i32
    scf.if %cond3A_24 {
      "tpu.region"() ({
        %run_scoped3A = tpu.sem_alloc : memref<!tpu.dma_semaphore, #tpu.memory_space<semaphore_mem>>
        %dma_start3A = arith.constant 0 : i32
        %dma_start3A_29 = tpu.memref_slice %arg16[%dma_start3A] : memref<3128xf32, #tpu.memory_space<vmem>> -> memref<128xf32, #tpu.memory_space<vmem>>
        %dma_start3A_30 = arith.constant 0 : i32
        %dma_start3A_31 = tpu.memref_slice %arg16[%dma_start3A_30] : memref<3128xf32, #tpu.memory_space<vmem>> -> memref<128xf32, #tpu.memory_space<vmem>>
        tpu.enqueue_dma source(%arg20 : memref<128xf32, #tpu.memory_space<vmem_shared>>) target(%dma_start3A_31 : memref<128xf32, #tpu.memory_space<vmem>>) target_semaphore(%run_scoped3A : memref<!tpu.dma_semaphore, #tpu.memory_space<semaphore_mem>>)
        %dma_wait3A = arith.constant 0 : i32
        %dma_wait3A_32 = tpu.memref_slice %arg16[%dma_wait3A] : memref<3128xf32, #tpu.memory_space<vmem>> -> memref<128xf32, #tpu.memory_space<vmem>>
        %dma_wait3A_33 = arith.constant 0 : i32
        %dma_wait3A_34 = tpu.memref_slice %arg16[%dma_wait3A_33] : memref<3128xf32, #tpu.memory_space<vmem>> -> memref<128xf32, #tpu.memory_space<vmem>>
        tpu.wait_dma2 semaphore(%run_scoped3A : memref<!tpu.dma_semaphore, #tpu.memory_space<semaphore_mem>>) src(%arg20 : memref<128xf32, #tpu.memory_space<vmem_shared>>) dst(%dma_wait3A_34 : memref<128xf32, #tpu.memory_space<vmem>>)
        tpu.yield
      }) : () -> ()
      %mul3A_25 = arith.constant 150272 : i32
      %mul3A_26 = arith.muli %arg0, %mul3A_25 : i32
      %add3A_27 = arith.constant 150144 : i32
      %add3A_28 = arith.addi %mul3A_26, %add3A_27 : i32
      "tpu.region"() ({
        %run_scoped3A = tpu.sem_alloc : memref<!tpu.dma_semaphore, #tpu.memory_space<semaphore_mem>>
        %dma_start3A = arith.constant 0 : i32
        %dma_start3A_29 = tpu.memref_slice %arg16[%dma_start3A] : memref<3128xf32, #tpu.memory_space<vmem>> -> memref<128xf32, #tpu.memory_space<vmem>>
        %dma_start3A_30 = tpu.memref_slice %arg9[%add3A_28] : memref<300544xf32, #tpu.memory_space<hbm>> -> memref<128xf32, #tpu.memory_space<hbm>>
        %dma_start3A_31 = tpu.memref_slice %arg9[%add3A_28] : memref<300544xf32, #tpu.memory_space<hbm>> -> memref<128xf32, #tpu.memory_space<hbm>>
        %dma_start3A_32 = arith.constant 0 : i32
        %dma_start3A_33 = tpu.memref_slice %arg16[%dma_start3A_32] : memref<3128xf32, #tpu.memory_space<vmem>> -> memref<128xf32, #tpu.memory_space<vmem>>
        tpu.enqueue_dma source(%dma_start3A_33 : memref<128xf32, #tpu.memory_space<vmem>>) target(%dma_start3A_31 : memref<128xf32, #tpu.memory_space<hbm>>) target_semaphore(%run_scoped3A : memref<!tpu.dma_semaphore, #tpu.memory_space<semaphore_mem>>)
        %dma_wait3A = arith.constant 0 : i32
        %dma_wait3A_34 = tpu.memref_slice %arg16[%dma_wait3A] : memref<3128xf32, #tpu.memory_space<vmem>> -> memref<128xf32, #tpu.memory_space<vmem>>
        %dma_wait3A_35 = tpu.memref_slice %arg9[%add3A_28] : memref<300544xf32, #tpu.memory_space<hbm>> -> memref<128xf32, #tpu.memory_space<hbm>>
        %dma_wait3A_36 = tpu.memref_slice %arg9[%add3A_28] : memref<300544xf32, #tpu.memory_space<hbm>> -> memref<128xf32, #tpu.memory_space<hbm>>
        %dma_wait3A_37 = arith.constant 0 : i32
        %dma_wait3A_38 = tpu.memref_slice %arg16[%dma_wait3A_37] : memref<3128xf32, #tpu.memory_space<vmem>> -> memref<128xf32, #tpu.memory_space<vmem>>
        tpu.wait_dma2 semaphore(%run_scoped3A : memref<!tpu.dma_semaphore, #tpu.memory_space<semaphore_mem>>) src(%dma_wait3A_38 : memref<128xf32, #tpu.memory_space<vmem>>) dst(%dma_wait3A_36 : memref<128xf32, #tpu.memory_space<hbm>>)
        tpu.yield
      }) : () -> ()
    } else {
    }
    return
  }
}

#map = affine_map<(d0, d1) -> (0)>
module attributes {stable_mosaic.version = 14 : i64} {
  func.func @_gather_body(%arg0: i32, %arg1: i32, %arg2: memref<1600000xi32, #tpu.memory_space<hbm>>, %arg3: memref<50000xf32, #tpu.memory_space<hbm>>, %arg4: memref<50000xf32, #tpu.memory_space<hbm>>, %arg5: memref<50000xf32, #tpu.memory_space<hbm>>, %arg6: memref<1600000xf32, #tpu.memory_space<hbm>>, %arg7: memref<1600000xf32, #tpu.memory_space<hbm>>, %arg8: memref<1600000xf32, #tpu.memory_space<hbm>>, %arg9: memref<2000xi32, #tpu.memory_space<vmem>>, %arg10: memref<2000xf32, #tpu.memory_space<vmem>>, %arg11: memref<2000xf32, #tpu.memory_space<vmem>>, %arg12: memref<2000xf32, #tpu.memory_space<vmem>>, %arg13: memref<!tpu.dma_semaphore, #tpu.memory_space<semaphore_mem>>) attributes {dimension_semantics = [#tpu.dimension_semantics<core_parallel>, #tpu.dimension_semantics<subcore_parallel>], iteration_bounds = array<i64: 2, 16>, scalar_prefetch = 0 : i64, scratch_operands = 5 : i64, tpu.core_type = #tpu.core_type<sc_vector_subcore>, window_params = [{transform_indices = #map}, {transform_indices = #map}, {transform_indices = #map}, {transform_indices = #map}, {transform_indices = #map}, {transform_indices = #map}, {transform_indices = #map}]} {
    %mul3A = arith.constant 2 : i32
    %mul3A_0 = arith.muli %arg1, %mul3A : i32
    %add3A = arith.addi %mul3A_0, %arg0 : i32
    %scan3A = arith.constant 0 : i32
    %scan3A_1 = arith.constant 0 : i32
    %scan3A_2 = arith.constant 25 : i32
    %scan3A_3 = arith.addi %scan3A_1, %scan3A_2 : i32
    %scan3A_4 = arith.constant 1 : i32
    scf.for %scan3A_6 = %scan3A_1 to %scan3A_3 step %scan3A_4  : i32 {
      %mul3A_7 = arith.constant 50000 : i32
      %mul3A_8 = arith.muli %add3A, %mul3A_7 : i32
      %mul3A_9 = arith.constant 2000 : i32
      %mul3A_10 = arith.muli %scan3A_6, %mul3A_9 : i32
      %add3A_11 = arith.addi %mul3A_8, %mul3A_10 : i32
      "tpu.region"() ({
        %run_scoped3A = tpu.sem_alloc : memref<!tpu.dma_semaphore, #tpu.memory_space<semaphore_mem>>
        %dma_start3A_22 = tpu.memref_slice %arg2[%add3A_11] : memref<1600000xi32, #tpu.memory_space<hbm>> -> memref<2000xi32, #tpu.memory_space<hbm>>
        %dma_start3A_23 = tpu.memref_slice %arg2[%add3A_11] : memref<1600000xi32, #tpu.memory_space<hbm>> -> memref<2000xi32, #tpu.memory_space<hbm>>
        tpu.enqueue_dma source(%dma_start3A_23 : memref<2000xi32, #tpu.memory_space<hbm>>) target(%arg9 : memref<2000xi32, #tpu.memory_space<vmem>>) target_semaphore(%run_scoped3A : memref<!tpu.dma_semaphore, #tpu.memory_space<semaphore_mem>>)
        %dma_wait3A_24 = tpu.memref_slice %arg2[%add3A_11] : memref<1600000xi32, #tpu.memory_space<hbm>> -> memref<2000xi32, #tpu.memory_space<hbm>>
        %dma_wait3A_25 = tpu.memref_slice %arg2[%add3A_11] : memref<1600000xi32, #tpu.memory_space<hbm>> -> memref<2000xi32, #tpu.memory_space<hbm>>
        tpu.wait_dma2 semaphore(%run_scoped3A : memref<!tpu.dma_semaphore, #tpu.memory_space<semaphore_mem>>) src(%dma_wait3A_25 : memref<2000xi32, #tpu.memory_space<hbm>>) dst(%arg9 : memref<2000xi32, #tpu.memory_space<vmem>>)
        tpu.yield
      }) : () -> ()
      %dma_start3A = arith.constant 0 : i32
      %dma_start3A_12 = tpu.memref_slice %arg3[%dma_start3A] : memref<50000xf32, #tpu.memory_space<hbm>> -> memref<50000xf32, #tpu.memory_space<hbm>>
      tpu.enqueue_indirect_dma source(%dma_start3A_12 : memref<50000xf32, #tpu.memory_space<hbm>>) target(%arg10 : memref<2000xf32, #tpu.memory_space<vmem>>) offsets(%arg9 : memref<2000xi32, #tpu.memory_space<vmem>>) semaphore(%arg13 : memref<!tpu.dma_semaphore, #tpu.memory_space<semaphore_mem>>)
      %dma_wait3A = arith.constant 0 : i32
      %dma_wait3A_13 = tpu.memref_slice %arg3[%dma_wait3A] : memref<50000xf32, #tpu.memory_space<hbm>> -> memref<50000xf32, #tpu.memory_space<hbm>>
      tpu.wait_indirect_dma semaphore(%arg13 : memref<!tpu.dma_semaphore, #tpu.memory_space<semaphore_mem>>) src(%dma_wait3A_13 : memref<50000xf32, #tpu.memory_space<hbm>>) dst(%arg10 : memref<2000xf32, #tpu.memory_space<vmem>>)
      %dma_start3A_14 = arith.constant 0 : i32
      %dma_start3A_15 = tpu.memref_slice %arg4[%dma_start3A_14] : memref<50000xf32, #tpu.memory_space<hbm>> -> memref<50000xf32, #tpu.memory_space<hbm>>
      tpu.enqueue_indirect_dma source(%dma_start3A_15 : memref<50000xf32, #tpu.memory_space<hbm>>) target(%arg11 : memref<2000xf32, #tpu.memory_space<vmem>>) offsets(%arg9 : memref<2000xi32, #tpu.memory_space<vmem>>) semaphore(%arg13 : memref<!tpu.dma_semaphore, #tpu.memory_space<semaphore_mem>>)
      %dma_wait3A_16 = arith.constant 0 : i32
      %dma_wait3A_17 = tpu.memref_slice %arg4[%dma_wait3A_16] : memref<50000xf32, #tpu.memory_space<hbm>> -> memref<50000xf32, #tpu.memory_space<hbm>>
      tpu.wait_indirect_dma semaphore(%arg13 : memref<!tpu.dma_semaphore, #tpu.memory_space<semaphore_mem>>) src(%dma_wait3A_17 : memref<50000xf32, #tpu.memory_space<hbm>>) dst(%arg11 : memref<2000xf32, #tpu.memory_space<vmem>>)
      %dma_start3A_18 = arith.constant 0 : i32
      %dma_start3A_19 = tpu.memref_slice %arg5[%dma_start3A_18] : memref<50000xf32, #tpu.memory_space<hbm>> -> memref<50000xf32, #tpu.memory_space<hbm>>
      tpu.enqueue_indirect_dma source(%dma_start3A_19 : memref<50000xf32, #tpu.memory_space<hbm>>) target(%arg12 : memref<2000xf32, #tpu.memory_space<vmem>>) offsets(%arg9 : memref<2000xi32, #tpu.memory_space<vmem>>) semaphore(%arg13 : memref<!tpu.dma_semaphore, #tpu.memory_space<semaphore_mem>>)
      %dma_wait3A_20 = arith.constant 0 : i32
      %dma_wait3A_21 = tpu.memref_slice %arg5[%dma_wait3A_20] : memref<50000xf32, #tpu.memory_space<hbm>> -> memref<50000xf32, #tpu.memory_space<hbm>>
      tpu.wait_indirect_dma semaphore(%arg13 : memref<!tpu.dma_semaphore, #tpu.memory_space<semaphore_mem>>) src(%dma_wait3A_21 : memref<50000xf32, #tpu.memory_space<hbm>>) dst(%arg12 : memref<2000xf32, #tpu.memory_space<vmem>>)
      "tpu.region"() ({
        %run_scoped3A = tpu.sem_alloc : memref<!tpu.dma_semaphore, #tpu.memory_space<semaphore_mem>>
        %dma_start3A_22 = tpu.memref_slice %arg6[%add3A_11] : memref<1600000xf32, #tpu.memory_space<hbm>> -> memref<2000xf32, #tpu.memory_space<hbm>>
        %dma_start3A_23 = tpu.memref_slice %arg6[%add3A_11] : memref<1600000xf32, #tpu.memory_space<hbm>> -> memref<2000xf32, #tpu.memory_space<hbm>>
        tpu.enqueue_dma source(%arg10 : memref<2000xf32, #tpu.memory_space<vmem>>) target(%dma_start3A_23 : memref<2000xf32, #tpu.memory_space<hbm>>) target_semaphore(%run_scoped3A : memref<!tpu.dma_semaphore, #tpu.memory_space<semaphore_mem>>)
        %dma_wait3A_24 = tpu.memref_slice %arg6[%add3A_11] : memref<1600000xf32, #tpu.memory_space<hbm>> -> memref<2000xf32, #tpu.memory_space<hbm>>
        %dma_wait3A_25 = tpu.memref_slice %arg6[%add3A_11] : memref<1600000xf32, #tpu.memory_space<hbm>> -> memref<2000xf32, #tpu.memory_space<hbm>>
        tpu.wait_dma2 semaphore(%run_scoped3A : memref<!tpu.dma_semaphore, #tpu.memory_space<semaphore_mem>>) src(%arg10 : memref<2000xf32, #tpu.memory_space<vmem>>) dst(%dma_wait3A_25 : memref<2000xf32, #tpu.memory_space<hbm>>)
        tpu.yield
      }) : () -> ()
      "tpu.region"() ({
        %run_scoped3A = tpu.sem_alloc : memref<!tpu.dma_semaphore, #tpu.memory_space<semaphore_mem>>
        %dma_start3A_22 = tpu.memref_slice %arg7[%add3A_11] : memref<1600000xf32, #tpu.memory_space<hbm>> -> memref<2000xf32, #tpu.memory_space<hbm>>
        %dma_start3A_23 = tpu.memref_slice %arg7[%add3A_11] : memref<1600000xf32, #tpu.memory_space<hbm>> -> memref<2000xf32, #tpu.memory_space<hbm>>
        tpu.enqueue_dma source(%arg11 : memref<2000xf32, #tpu.memory_space<vmem>>) target(%dma_start3A_23 : memref<2000xf32, #tpu.memory_space<hbm>>) target_semaphore(%run_scoped3A : memref<!tpu.dma_semaphore, #tpu.memory_space<semaphore_mem>>)
        %dma_wait3A_24 = tpu.memref_slice %arg7[%add3A_11] : memref<1600000xf32, #tpu.memory_space<hbm>> -> memref<2000xf32, #tpu.memory_space<hbm>>
        %dma_wait3A_25 = tpu.memref_slice %arg7[%add3A_11] : memref<1600000xf32, #tpu.memory_space<hbm>> -> memref<2000xf32, #tpu.memory_space<hbm>>
        tpu.wait_dma2 semaphore(%run_scoped3A : memref<!tpu.dma_semaphore, #tpu.memory_space<semaphore_mem>>) src(%arg11 : memref<2000xf32, #tpu.memory_space<vmem>>) dst(%dma_wait3A_25 : memref<2000xf32, #tpu.memory_space<hbm>>)
        tpu.yield
      }) : () -> ()
      "tpu.region"() ({
        %run_scoped3A = tpu.sem_alloc : memref<!tpu.dma_semaphore, #tpu.memory_space<semaphore_mem>>
        %dma_start3A_22 = tpu.memref_slice %arg8[%add3A_11] : memref<1600000xf32, #tpu.memory_space<hbm>> -> memref<2000xf32, #tpu.memory_space<hbm>>
        %dma_start3A_23 = tpu.memref_slice %arg8[%add3A_11] : memref<1600000xf32, #tpu.memory_space<hbm>> -> memref<2000xf32, #tpu.memory_space<hbm>>
        tpu.enqueue_dma source(%arg12 : memref<2000xf32, #tpu.memory_space<vmem>>) target(%dma_start3A_23 : memref<2000xf32, #tpu.memory_space<hbm>>) target_semaphore(%run_scoped3A : memref<!tpu.dma_semaphore, #tpu.memory_space<semaphore_mem>>)
        %dma_wait3A_24 = tpu.memref_slice %arg8[%add3A_11] : memref<1600000xf32, #tpu.memory_space<hbm>> -> memref<2000xf32, #tpu.memory_space<hbm>>
        %dma_wait3A_25 = tpu.memref_slice %arg8[%add3A_11] : memref<1600000xf32, #tpu.memory_space<hbm>> -> memref<2000xf32, #tpu.memory_space<hbm>>
        tpu.wait_dma2 semaphore(%run_scoped3A : memref<!tpu.dma_semaphore, #tpu.memory_space<semaphore_mem>>) src(%arg12 : memref<2000xf32, #tpu.memory_space<vmem>>) dst(%dma_wait3A_25 : memref<2000xf32, #tpu.memory_space<hbm>>)
        tpu.yield
      }) : () -> ()
    }
    %scan3A_5 = arith.constant 25 : i32
    return
  }
}

module attributes {stable_mosaic.version = 14 : i64} {
  func.func @_mlp_body(%arg0: i32, %arg1: memref<8x1000xf32, #tpu.memory_space<vmem>>, %arg2: memref<8x1000xf32, #tpu.memory_space<vmem>>, %arg3: memref<8x1000xf32, #tpu.memory_space<vmem>>, %arg4: memref<8x1000xf32, #tpu.memory_space<vmem>>, %arg5: memref<8x1000xf32, #tpu.memory_space<vmem>>, %arg6: memref<8x1000xf32, #tpu.memory_space<vmem>>, %arg7: memref<128x24xf32, #tpu.memory_space<vmem>>, %arg8: memref<128x1xf32, #tpu.memory_space<vmem>>, %arg9: memref<128x128xf32, #tpu.memory_space<vmem>>, %arg10: memref<128x1xf32, #tpu.memory_space<vmem>>, %arg11: memref<8x128xf32, #tpu.memory_space<vmem>>, %arg12: memref<1x1xf32, #tpu.memory_space<vmem>>, %arg13: memref<8x1000xf32, #tpu.memory_space<vmem>>, %arg14: memref<8x1000xf32, #tpu.memory_space<vmem>>, %arg15: memref<8x1000xf32, #tpu.memory_space<vmem>>, %arg16: memref<8x1000xf32, #tpu.memory_space<vmem>>) attributes {dimension_semantics = [#tpu.dimension_semantics<arbitrary>], iteration_bounds = array<i64: 200>, scalar_prefetch = 0 : i64, scratch_operands = 0 : i64, tpu.core_type = #tpu.core_type<tc>, window_params = [{transform_indices = @transform_0, window_bounds = array<i64: 8, 1000>}, {transform_indices = @transform_1, window_bounds = array<i64: 8, 1000>}, {transform_indices = @transform_2, window_bounds = array<i64: 8, 1000>}, {transform_indices = @transform_3, window_bounds = array<i64: 8, 1000>}, {transform_indices = @transform_4, window_bounds = array<i64: 8, 1000>}, {transform_indices = @transform_5, window_bounds = array<i64: 8, 1000>}, {pipeline_mode = #tpu.pipeline_mode<synchronous>, transform_indices = @transform_6, window_bounds = array<i64: 128, 24>}, {pipeline_mode = #tpu.pipeline_mode<synchronous>, transform_indices = @transform_7, window_bounds = array<i64: 128, 1>}, {pipeline_mode = #tpu.pipeline_mode<synchronous>, transform_indices = @transform_8, window_bounds = array<i64: 128, 128>}, {pipeline_mode = #tpu.pipeline_mode<synchronous>, transform_indices = @transform_9, window_bounds = array<i64: 128, 1>}, {pipeline_mode = #tpu.pipeline_mode<synchronous>, transform_indices = @transform_10, window_bounds = array<i64: 8, 128>}, {pipeline_mode = #tpu.pipeline_mode<synchronous>, transform_indices = @transform_11, window_bounds = array<i64: 1, 1>}, {transform_indices = @transform_12, window_bounds = array<i64: 8, 1000>}, {transform_indices = @transform_13, window_bounds = array<i64: 8, 1000>}, {transform_indices = @transform_14, window_bounds = array<i64: 8, 1000>}, {transform_indices = @transform_15, window_bounds = array<i64: 8, 1000>}]} {
    %get3A = arith.constant 0 : index
    %get3A_0 = arith.constant 0 : index
    %get3A_1 = vector.load %arg1[%get3A, %get3A_0] : memref<8x1000xf32, #tpu.memory_space<vmem>>, vector<8x1000xf32>
    %get3A_2 = arith.constant 0 : index
    %get3A_3 = arith.constant 0 : index
    %get3A_4 = vector.load %arg4[%get3A_2, %get3A_3] : memref<8x1000xf32, #tpu.memory_space<vmem>>, vector<8x1000xf32>
    %sub3A = arith.subf %get3A_1, %get3A_4 : vector<8x1000xf32>
    %get3A_5 = arith.constant 0 : index
    %get3A_6 = arith.constant 0 : index
    %get3A_7 = vector.load %arg2[%get3A_5, %get3A_6] : memref<8x1000xf32, #tpu.memory_space<vmem>>, vector<8x1000xf32>
    %get3A_8 = arith.constant 0 : index
    %get3A_9 = arith.constant 0 : index
    %get3A_10 = vector.load %arg5[%get3A_8, %get3A_9] : memref<8x1000xf32, #tpu.memory_space<vmem>>, vector<8x1000xf32>
    %sub3A_11 = arith.subf %get3A_7, %get3A_10 : vector<8x1000xf32>
    %get3A_12 = arith.constant 0 : index
    %get3A_13 = arith.constant 0 : index
    %get3A_14 = vector.load %arg3[%get3A_12, %get3A_13] : memref<8x1000xf32, #tpu.memory_space<vmem>>, vector<8x1000xf32>
    %get3A_15 = arith.constant 0 : index
    %get3A_16 = arith.constant 0 : index
    %get3A_17 = vector.load %arg6[%get3A_15, %get3A_16] : memref<8x1000xf32, #tpu.memory_space<vmem>>, vector<8x1000xf32>
    %sub3A_18 = arith.subf %get3A_14, %get3A_17 : vector<8x1000xf32>
    %mul3A = arith.mulf %sub3A, %sub3A : vector<8x1000xf32>
    %mul3A_19 = arith.mulf %sub3A_11, %sub3A_11 : vector<8x1000xf32>
    %add3A = arith.addf %mul3A, %mul3A_19 : vector<8x1000xf32>
    %mul3A_20 = arith.mulf %sub3A_18, %sub3A_18 : vector<8x1000xf32>
    %add3A_21 = arith.addf %add3A, %mul3A_20 : vector<8x1000xf32>
    %sqrt3A = math.sqrt %add3A_21 : vector<8x1000xf32>
    %div3A = arith.constant 1.000000e+00 : f32
    %div3A_22 = vector.broadcast %div3A : f32 to vector<8x1000xf32>
    %div3A_23 = arith.divf %div3A_22, %sqrt3A : vector<8x1000xf32>
    %mul3A_24 = arith.constant 1.04719758 : f32
    %mul3A_25 = vector.broadcast %mul3A_24 : f32 to vector<8x1000xf32>
    %mul3A_26 = arith.mulf %mul3A_25, %sqrt3A : vector<8x1000xf32>
    %sin3A = math.sin %mul3A_26 : vector<8x1000xf32>
    %mul3A_27 = arith.constant 2.09439516 : f32
    %mul3A_28 = vector.broadcast %mul3A_27 : f32 to vector<8x1000xf32>
    %mul3A_29 = arith.mulf %mul3A_28, %sqrt3A : vector<8x1000xf32>
    %sin3A_30 = math.sin %mul3A_29 : vector<8x1000xf32>
    %mul3A_31 = arith.constant 3.14159274 : f32
    %mul3A_32 = vector.broadcast %mul3A_31 : f32 to vector<8x1000xf32>
    %mul3A_33 = arith.mulf %mul3A_32, %sqrt3A : vector<8x1000xf32>
    %sin3A_34 = math.sin %mul3A_33 : vector<8x1000xf32>
    %mul3A_35 = arith.constant 1.04719758 : f32
    %mul3A_36 = vector.broadcast %mul3A_35 : f32 to vector<8x1000xf32>
    %mul3A_37 = arith.mulf %mul3A_36, %sqrt3A : vector<8x1000xf32>
    %cos3A = math.cos %mul3A_37 : vector<8x1000xf32>
    %mul3A_38 = arith.constant 2.09439516 : f32
    %mul3A_39 = vector.broadcast %mul3A_38 : f32 to vector<8x1000xf32>
    %mul3A_40 = arith.mulf %mul3A_39, %sqrt3A : vector<8x1000xf32>
    %cos3A_41 = math.cos %mul3A_40 : vector<8x1000xf32>
    %mul3A_42 = arith.constant 3.14159274 : f32
    %mul3A_43 = vector.broadcast %mul3A_42 : f32 to vector<8x1000xf32>
    %mul3A_44 = arith.mulf %mul3A_43, %sqrt3A : vector<8x1000xf32>
    %cos3A_45 = math.cos %mul3A_44 : vector<8x1000xf32>
    %mul3A_46 = arith.constant 0.816496611 : f32
    %mul3A_47 = vector.broadcast %mul3A_46 : f32 to vector<8x1000xf32>
    %mul3A_48 = arith.mulf %mul3A_47, %sin3A : vector<8x1000xf32>
    %mul3A_49 = arith.mulf %mul3A_48, %div3A_23 : vector<8x1000xf32>
    %mul3A_50 = arith.constant 0.816496611 : f32
    %mul3A_51 = vector.broadcast %mul3A_50 : f32 to vector<8x1000xf32>
    %mul3A_52 = arith.mulf %mul3A_51, %sin3A_30 : vector<8x1000xf32>
    %mul3A_53 = arith.mulf %mul3A_52, %div3A_23 : vector<8x1000xf32>
    %mul3A_54 = arith.constant 0.816496611 : f32
    %mul3A_55 = vector.broadcast %mul3A_54 : f32 to vector<8x1000xf32>
    %mul3A_56 = arith.mulf %mul3A_55, %sin3A_34 : vector<8x1000xf32>
    %mul3A_57 = arith.mulf %mul3A_56, %div3A_23 : vector<8x1000xf32>
    %concatenate3A = tpu.concatenate %mul3A_49, %mul3A_53, %mul3A_57 in 0 : vector<8x1000xf32>, vector<8x1000xf32>, vector<8x1000xf32> -> vector<24x1000xf32>
    %mul3A_58 = arith.constant 1.04719758 : f32
    %mul3A_59 = vector.broadcast %mul3A_58 : f32 to vector<8x1000xf32>
    %mul3A_60 = arith.mulf %mul3A_59, %cos3A : vector<8x1000xf32>
    %mul3A_61 = arith.mulf %sin3A, %div3A_23 : vector<8x1000xf32>
    %sub3A_62 = arith.subf %mul3A_60, %mul3A_61 : vector<8x1000xf32>
    %mul3A_63 = arith.constant 0.816496611 : f32
    %mul3A_64 = vector.broadcast %mul3A_63 : f32 to vector<8x1000xf32>
    %mul3A_65 = arith.mulf %mul3A_64, %sub3A_62 : vector<8x1000xf32>
    %mul3A_66 = arith.mulf %mul3A_65, %div3A_23 : vector<8x1000xf32>
    %mul3A_67 = arith.constant 2.09439516 : f32
    %mul3A_68 = vector.broadcast %mul3A_67 : f32 to vector<8x1000xf32>
    %mul3A_69 = arith.mulf %mul3A_68, %cos3A_41 : vector<8x1000xf32>
    %mul3A_70 = arith.mulf %sin3A_30, %div3A_23 : vector<8x1000xf32>
    %sub3A_71 = arith.subf %mul3A_69, %mul3A_70 : vector<8x1000xf32>
    %mul3A_72 = arith.constant 0.816496611 : f32
    %mul3A_73 = vector.broadcast %mul3A_72 : f32 to vector<8x1000xf32>
    %mul3A_74 = arith.mulf %mul3A_73, %sub3A_71 : vector<8x1000xf32>
    %mul3A_75 = arith.mulf %mul3A_74, %div3A_23 : vector<8x1000xf32>
    %mul3A_76 = arith.constant 3.14159274 : f32
    %mul3A_77 = vector.broadcast %mul3A_76 : f32 to vector<8x1000xf32>
    %mul3A_78 = arith.mulf %mul3A_77, %cos3A_45 : vector<8x1000xf32>
    %mul3A_79 = arith.mulf %sin3A_34, %div3A_23 : vector<8x1000xf32>
    %sub3A_80 = arith.subf %mul3A_78, %mul3A_79 : vector<8x1000xf32>
    %mul3A_81 = arith.constant 0.816496611 : f32
    %mul3A_82 = vector.broadcast %mul3A_81 : f32 to vector<8x1000xf32>
    %mul3A_83 = arith.mulf %mul3A_82, %sub3A_80 : vector<8x1000xf32>
    %mul3A_84 = arith.mulf %mul3A_83, %div3A_23 : vector<8x1000xf32>
    %concatenate3A_85 = tpu.concatenate %mul3A_66, %mul3A_75, %mul3A_84 in 0 : vector<8x1000xf32>, vector<8x1000xf32>, vector<8x1000xf32> -> vector<24x1000xf32>
    %get3A_86 = arith.constant 0 : index
    %get3A_87 = arith.constant 0 : index
    %get3A_88 = vector.load %arg7[%get3A_86, %get3A_87] : memref<128x24xf32, #tpu.memory_space<vmem>>, vector<128x24xf32>
    %get3A_89 = arith.constant 0 : index
    %get3A_90 = arith.constant 0 : index
    %get3A_91 = vector.load %arg9[%get3A_89, %get3A_90] : memref<128x128xf32, #tpu.memory_space<vmem>>, vector<128x128xf32>
    %get3A_92 = arith.constant 0 : index
    %get3A_93 = arith.constant 0 : index
    %get3A_94 = vector.load %arg11[%get3A_92, %get3A_93] : memref<8x128xf32, #tpu.memory_space<vmem>>, vector<8x128xf32>
    %get3A_95 = arith.constant 0 : index
    %get3A_96 = arith.constant 0 : index
    %get3A_97 = vector.load %arg8[%get3A_95, %get3A_96] : memref<128x1xf32, #tpu.memory_space<vmem>>, vector<128x1xf32>
    %get3A_98 = arith.constant 0 : index
    %get3A_99 = arith.constant 0 : index
    %get3A_100 = vector.load %arg10[%get3A_98, %get3A_99] : memref<128x1xf32, #tpu.memory_space<vmem>>, vector<128x1xf32>
    %get3A_101 = arith.constant 0 : index
    %get3A_102 = arith.constant 0 : index
    %get3A_103 = vector.load %arg12[%get3A_101, %get3A_102] : memref<1x1xf32, #tpu.memory_space<vmem>>, vector<1x1xf32>
    %dot_general3A = arith.constant dense<0.000000e+00> : vector<128x1000xf32>
    %dot_general3A_104 = tpu.matmul %get3A_88, %concatenate3A, %dot_general3A {dimension_numbers = #tpu.dot_dimension_numbers<[1], [0], [0], [1], [0, 0, 1, 1], [], []>, transpose_lhs_hint = false} : vector<128x24xf32>, vector<24x1000xf32>, vector<128x1000xf32> -> vector<128x1000xf32>
    %add3A_105 = vector.broadcast %get3A_97 : vector<128x1xf32> to vector<128x1000xf32>
    %add3A_106 = arith.addf %dot_general3A_104, %add3A_105 : vector<128x1000xf32>
    %dot_general3A_107 = arith.constant dense<0.000000e+00> : vector<128x1000xf32>
    %dot_general3A_108 = tpu.matmul %get3A_88, %concatenate3A_85, %dot_general3A_107 {dimension_numbers = #tpu.dot_dimension_numbers<[1], [0], [0], [1], [0, 0, 1, 1], [], []>, transpose_lhs_hint = false} : vector<128x24xf32>, vector<24x1000xf32>, vector<128x1000xf32> -> vector<128x1000xf32>
    %neg3A = arith.constant 0.000000e+00 : f32
    %neg3A_109 = vector.broadcast %neg3A : f32 to vector<128x1000xf32>
    %neg3A_110 = arith.subf %neg3A_109, %add3A_106 : vector<128x1000xf32>
    %exp3A = math.exp %neg3A_110 : vector<128x1000xf32>
    %add3A_111 = arith.constant 1.000000e+00 : f32
    %add3A_112 = vector.broadcast %add3A_111 : f32 to vector<128x1000xf32>
    %add3A_113 = arith.addf %add3A_112, %exp3A : vector<128x1000xf32>
    %div3A_114 = arith.constant 1.000000e+00 : f32
    %div3A_115 = vector.broadcast %div3A_114 : f32 to vector<128x1000xf32>
    %div3A_116 = arith.divf %div3A_115, %add3A_113 : vector<128x1000xf32>
    %mul3A_117 = arith.mulf %add3A_106, %div3A_116 : vector<128x1000xf32>
    %mul3A_118 = arith.mulf %dot_general3A_108, %div3A_116 : vector<128x1000xf32>
    %sub3A_119 = arith.constant 1.000000e+00 : f32
    %sub3A_120 = vector.broadcast %sub3A_119 : f32 to vector<128x1000xf32>
    %sub3A_121 = arith.subf %sub3A_120, %div3A_116 : vector<128x1000xf32>
    %mul3A_122 = arith.mulf %add3A_106, %sub3A_121 : vector<128x1000xf32>
    %add3A_123 = arith.constant 1.000000e+00 : f32
    %add3A_124 = vector.broadcast %add3A_123 : f32 to vector<128x1000xf32>
    %add3A_125 = arith.addf %add3A_124, %mul3A_122 : vector<128x1000xf32>
    %mul3A_126 = arith.mulf %mul3A_118, %add3A_125 : vector<128x1000xf32>
    %dot_general3A_127 = arith.constant dense<0.000000e+00> : vector<128x1000xf32>
    %dot_general3A_128 = tpu.matmul %get3A_91, %mul3A_117, %dot_general3A_127 {dimension_numbers = #tpu.dot_dimension_numbers<[1], [0], [0], [1], [0, 0, 1, 1], [], []>, transpose_lhs_hint = false} : vector<128x128xf32>, vector<128x1000xf32>, vector<128x1000xf32> -> vector<128x1000xf32>
    %add3A_129 = vector.broadcast %get3A_100 : vector<128x1xf32> to vector<128x1000xf32>
    %add3A_130 = arith.addf %dot_general3A_128, %add3A_129 : vector<128x1000xf32>
    %dot_general3A_131 = arith.constant dense<0.000000e+00> : vector<128x1000xf32>
    %dot_general3A_132 = tpu.matmul %get3A_91, %mul3A_126, %dot_general3A_131 {dimension_numbers = #tpu.dot_dimension_numbers<[1], [0], [0], [1], [0, 0, 1, 1], [], []>, transpose_lhs_hint = false} : vector<128x128xf32>, vector<128x1000xf32>, vector<128x1000xf32> -> vector<128x1000xf32>
    %neg3A_133 = arith.constant 0.000000e+00 : f32
    %neg3A_134 = vector.broadcast %neg3A_133 : f32 to vector<128x1000xf32>
    %neg3A_135 = arith.subf %neg3A_134, %add3A_130 : vector<128x1000xf32>
    %exp3A_136 = math.exp %neg3A_135 : vector<128x1000xf32>
    %add3A_137 = arith.constant 1.000000e+00 : f32
    %add3A_138 = vector.broadcast %add3A_137 : f32 to vector<128x1000xf32>
    %add3A_139 = arith.addf %add3A_138, %exp3A_136 : vector<128x1000xf32>
    %div3A_140 = arith.constant 1.000000e+00 : f32
    %div3A_141 = vector.broadcast %div3A_140 : f32 to vector<128x1000xf32>
    %div3A_142 = arith.divf %div3A_141, %add3A_139 : vector<128x1000xf32>
    %mul3A_143 = arith.mulf %add3A_130, %div3A_142 : vector<128x1000xf32>
    %mul3A_144 = arith.mulf %dot_general3A_132, %div3A_142 : vector<128x1000xf32>
    %sub3A_145 = arith.constant 1.000000e+00 : f32
    %sub3A_146 = vector.broadcast %sub3A_145 : f32 to vector<128x1000xf32>
    %sub3A_147 = arith.subf %sub3A_146, %div3A_142 : vector<128x1000xf32>
    %mul3A_148 = arith.mulf %add3A_130, %sub3A_147 : vector<128x1000xf32>
    %add3A_149 = arith.constant 1.000000e+00 : f32
    %add3A_150 = vector.broadcast %add3A_149 : f32 to vector<128x1000xf32>
    %add3A_151 = arith.addf %add3A_150, %mul3A_148 : vector<128x1000xf32>
    %mul3A_152 = arith.mulf %mul3A_144, %add3A_151 : vector<128x1000xf32>
    %dot_general3A_153 = arith.constant dense<0.000000e+00> : vector<8x1000xf32>
    %dot_general3A_154 = tpu.matmul %get3A_94, %mul3A_143, %dot_general3A_153 {dimension_numbers = #tpu.dot_dimension_numbers<[1], [0], [0], [1], [0, 0, 1, 1], [], []>, transpose_lhs_hint = false} : vector<8x128xf32>, vector<128x1000xf32>, vector<8x1000xf32> -> vector<8x1000xf32>
    %add3A_155 = vector.broadcast %get3A_103 : vector<1x1xf32> to vector<8x1000xf32>
    %add3A_156 = arith.addf %dot_general3A_154, %add3A_155 : vector<8x1000xf32>
    %dot_general3A_157 = arith.constant dense<0.000000e+00> : vector<8x1000xf32>
    %dot_general3A_158 = tpu.matmul %get3A_94, %mul3A_152, %dot_general3A_157 {dimension_numbers = #tpu.dot_dimension_numbers<[1], [0], [0], [1], [0, 0, 1, 1], [], []>, transpose_lhs_hint = false} : vector<8x128xf32>, vector<128x1000xf32>, vector<8x1000xf32> -> vector<8x1000xf32>
    %mul3A_159 = arith.constant -1.000000e+02 : f32
    %mul3A_160 = vector.broadcast %mul3A_159 : f32 to vector<8x1000xf32>
    %mul3A_161 = arith.mulf %mul3A_160, %dot_general3A_158 : vector<8x1000xf32>
    %mul3A_162 = arith.mulf %mul3A_161, %div3A_23 : vector<8x1000xf32>
    %mul3A_163 = arith.mulf %mul3A_162, %sub3A : vector<8x1000xf32>
    %swap3A = arith.constant 0 : index
    %swap3A_164 = arith.constant 0 : index
    %swap3A_165 = vector.load %arg13[%swap3A, %swap3A_164] : memref<8x1000xf32, #tpu.memory_space<vmem>>, vector<8x1000xf32>
    tpu.vector_store %arg13[%swap3A, %swap3A_164], %mul3A_163 {strides = array<i32>} : memref<8x1000xf32, #tpu.memory_space<vmem>>, vector<8x1000xf32>,
    %mul3A_166 = arith.mulf %mul3A_162, %sub3A_11 : vector<8x1000xf32>
    %swap3A_167 = arith.constant 0 : index
    %swap3A_168 = arith.constant 0 : index
    %swap3A_169 = vector.load %arg14[%swap3A_167, %swap3A_168] : memref<8x1000xf32, #tpu.memory_space<vmem>>, vector<8x1000xf32>
    tpu.vector_store %arg14[%swap3A_167, %swap3A_168], %mul3A_166 {strides = array<i32>} : memref<8x1000xf32, #tpu.memory_space<vmem>>, vector<8x1000xf32>,
    %mul3A_170 = arith.mulf %mul3A_162, %sub3A_18 : vector<8x1000xf32>
    %swap3A_171 = arith.constant 0 : index
    %swap3A_172 = arith.constant 0 : index
    %swap3A_173 = vector.load %arg15[%swap3A_171, %swap3A_172] : memref<8x1000xf32, #tpu.memory_space<vmem>>, vector<8x1000xf32>
    tpu.vector_store %arg15[%swap3A_171, %swap3A_172], %mul3A_170 {strides = array<i32>} : memref<8x1000xf32, #tpu.memory_space<vmem>>, vector<8x1000xf32>,
    %mul3A_174 = arith.constant 1.000000e+02 : f32
    %mul3A_175 = vector.broadcast %mul3A_174 : f32 to vector<8x1000xf32>
    %mul3A_176 = arith.mulf %mul3A_175, %add3A_156 : vector<8x1000xf32>
    %swap3A_177 = arith.constant 0 : index
    %swap3A_178 = arith.constant 0 : index
    %swap3A_179 = vector.load %arg16[%swap3A_177, %swap3A_178] : memref<8x1000xf32, #tpu.memory_space<vmem>>, vector<8x1000xf32>
    tpu.vector_store %arg16[%swap3A_177, %swap3A_178], %mul3A_176 {strides = array<i32>} : memref<8x1000xf32, #tpu.memory_space<vmem>>, vector<8x1000xf32>,
    return
  }
  func.func @transform_0(%arg0: i32) -> (i32, i32) {
    %c0_i32 = arith.constant 0 : i32
    %c0_i32_0 = arith.constant 0 : i32
    return %arg0, %c0_i32 : i32, i32
  }
  func.func @transform_1(%arg0: i32) -> (i32, i32) {
    %c0_i32 = arith.constant 0 : i32
    %c0_i32_0 = arith.constant 0 : i32
    return %arg0, %c0_i32 : i32, i32
  }
  func.func @transform_2(%arg0: i32) -> (i32, i32) {
    %c0_i32 = arith.constant 0 : i32
    %c0_i32_0 = arith.constant 0 : i32
    return %arg0, %c0_i32 : i32, i32
  }
  func.func @transform_3(%arg0: i32) -> (i32, i32) {
    %c0_i32 = arith.constant 0 : i32
    %c0_i32_0 = arith.constant 0 : i32
    return %arg0, %c0_i32 : i32, i32
  }
  func.func @transform_4(%arg0: i32) -> (i32, i32) {
    %c0_i32 = arith.constant 0 : i32
    %c0_i32_0 = arith.constant 0 : i32
    return %arg0, %c0_i32 : i32, i32
  }
  func.func @transform_5(%arg0: i32) -> (i32, i32) {
    %c0_i32 = arith.constant 0 : i32
    %c0_i32_0 = arith.constant 0 : i32
    return %arg0, %c0_i32 : i32, i32
  }
  func.func @transform_6(%arg0: i32) -> (i32, i32) {
    %c0_i32 = arith.constant 0 : i32
    %c0_i32_0 = arith.constant 0 : i32
    %c0_i32_1 = arith.constant 0 : i32
    return %c0_i32, %c0_i32_0 : i32, i32
  }
  func.func @transform_7(%arg0: i32) -> (i32, i32) {
    %c0_i32 = arith.constant 0 : i32
    %c0_i32_0 = arith.constant 0 : i32
    %c0_i32_1 = arith.constant 0 : i32
    return %c0_i32, %c0_i32_0 : i32, i32
  }
  func.func @transform_8(%arg0: i32) -> (i32, i32) {
    %c0_i32 = arith.constant 0 : i32
    %c0_i32_0 = arith.constant 0 : i32
    %c0_i32_1 = arith.constant 0 : i32
    return %c0_i32, %c0_i32_0 : i32, i32
  }
  func.func @transform_9(%arg0: i32) -> (i32, i32) {
    %c0_i32 = arith.constant 0 : i32
    %c0_i32_0 = arith.constant 0 : i32
    %c0_i32_1 = arith.constant 0 : i32
    return %c0_i32, %c0_i32_0 : i32, i32
  }
  func.func @transform_10(%arg0: i32) -> (i32, i32) {
    %c0_i32 = arith.constant 0 : i32
    %c0_i32_0 = arith.constant 0 : i32
    %c0_i32_1 = arith.constant 0 : i32
    return %c0_i32, %c0_i32_0 : i32, i32
  }
  func.func @transform_11(%arg0: i32) -> (i32, i32) {
    %c0_i32 = arith.constant 0 : i32
    %c0_i32_0 = arith.constant 0 : i32
    %c0_i32_1 = arith.constant 0 : i32
    return %c0_i32, %c0_i32_0 : i32, i32
  }
  func.func @transform_12(%arg0: i32) -> (i32, i32) {
    %c0_i32 = arith.constant 0 : i32
    %c0_i32_0 = arith.constant 0 : i32
    return %arg0, %c0_i32 : i32, i32
  }
  func.func @transform_13(%arg0: i32) -> (i32, i32) {
    %c0_i32 = arith.constant 0 : i32
    %c0_i32_0 = arith.constant 0 : i32
    return %arg0, %c0_i32 : i32, i32
  }
  func.func @transform_14(%arg0: i32) -> (i32, i32) {
    %c0_i32 = arith.constant 0 : i32
    %c0_i32_0 = arith.constant 0 : i32
    return %arg0, %c0_i32 : i32, i32
  }
  func.func @transform_15(%arg0: i32) -> (i32, i32) {
    %c0_i32 = arith.constant 0 : i32
    %c0_i32_0 = arith.constant 0 : i32
    return %arg0, %c0_i32 : i32, i32
  }
}

</mosaic_0001>

<sc_bundles>
// kernel: kernel.5.cloned.1.call-start
scs
__scs_entry_jumppad:
0x0: {  	(pc) =	sbr.rel $0x88, $3  }
0x1: {  	(tag) =	ssettag $0x0;
	lr =	simm.s32 $0x1  }
0x2: {  	[smem:$0x3F97] =	sst lr;
	_ =	strace $0xD0000000  }
0x3: {  	_ = 	snop  }
0x4: {  	_ = 	snop  }
0x5: {  	_ = 	snop  }
0x6: {  	_ = 	snop  }
0x7: {  	_ = 	snop  }
__scs_overlays_trampoline_lowered:
0x8: {  	[smem:$0x3FA6] =	sst s0  }
0x9: {  	[smem:$0x3FA7] =	sst s1  }
0xa: {  	[smem:$0x3FA8] =	sst s2  }
0xb: {  	[smem:$0x3FA9] =	sst s3  }
0xc: {  	[smem:$0x3FAA] =	sst s4  }
0xd: {  	[smem:$0x3FAB] =	sst s5  }
0xe: {  	[smem:$0x3FAC] =	sst s6  }
0xf: {  	[smem:$0x3FAD] =	sst s7  }
0x10: {  	[smem:$0x3FAE] =	sst s8  }
0x11: {  	[smem:$0x3FAF] =	sst s9;
	s0 =	simm.s32 @!p0 $0x0  }
0x12: {  	s1 =	sld [smem:$0x3F95];
	s0 =	simm.s32 @p0 $0x1  }
0x13: {  	[smem:$0x3FB0] =	sst s0;
	s0 =	simm.s32 @!p1 $0x0  }
0x14: {  	s2 =	sld [smem:$0x3F94];
	s0 =	simm.s32 @p1 $0x1  }
0x15: {  	[smem:$0x3FB1] =	sst s0;
	s0 =	simm.s32 @!p2 $0x0  }
0x16: {  	s3 =	sld [smem:$0x3FDB];
	s0 =	simm.s32 @p2 $0x1  }
0x17: {  	s4 =	simm.s32 $0x1BF5;
	[smem:$0x3FB3] =	sst s0  }
0x18: {  	s0 =	sld [smem:$0x3F96];
	_ =	swait.ge [sflag:s4], $0x0  }
0x19: {  	s7 =	sld [smem:$0x3F97]  }
0x1a: {  	s8 =	sadd.s32 $0xFFFFE003, lr  }
0x1b: {  	s9 =	sadd.s32 $0xFFFFFEF7, lr;
	s5 =	simm.s32 $0xFFFFFFFF;
	p2 =	slt.u32 s8, $0xFFFFF086  }
0x1c: {  	p1 =	slt.u32 s9, $0xF7A;
	s5 =	simm.s32 @!p2 $0x0  }
0x1d: {  	s5 =	simm.s32 @p1 $0x1;
	p0 =	seq.s32 s7, s2  }
0x1e: {  	s7 =	smul.u32 @!p0 $0xF7A, s2;
	p2 =	seq.s32 @!p0 s5, $0x0  }
0x1f: {  	s9 =	smul.u32 $0xF7A, s1;
	s8 =	simm.s32 @!p0 $0x1BF5;
	p2 =	por !p2, p0  }
0x20: {  	[sflag:s8] =	ssyncset.s32 @!p0 $0xFFFFF086;
	s6 =	sadd.s32 @!p0 s3, s7;
	s7 =	simm.s32 @!p0 $0x108  }
0x21: {  	s3 =	sadd.s32 s3, s9;
	s6 =	sadd.s32 @!p0 $0x88, s6;
	s7 =	simm.s32 @p2 $0x1082  }
0x22: {  	[simem:s7], [sflag:s8] =	dma.local @!p0 [hbm:s6], $0xF7A  }
0x23: {  	s9 =	sor.u32 $0xD0000000, s2;
	s6 =	simm.s32 $0x108;
	_ =	swait.ge @!p0 [sflag:s8], $0x0  }
0x24: {  	s3 =	sadd.s32 $0x88, s3;
	s6 =	simm.s32 @!p1 $0x1082;
	[sflag:s4] =	ssyncset.s32 $0xFFFFF086  }
0x25: {  	[simem:s6], [sflag:s4] =	dma.local [hbm:s3], $0xF7A  }
0x26: {  	[smem:$0x3F97] =	sst s1;
	(tag) =	ssettag s2;
	_ =	strace s9  }
0x27: {  	s1 =	sld [smem:$0x3FA7]  }
0x28: {  	s2 =	sld [smem:$0x3FA8]  }
0x29: {  	s4 =	sld [smem:$0x3FAA]  }
0x2a: {  	p0 =	seq.s32 s5, $0x0;
	s5 =	sld [smem:$0x3FAB]  }
0x2b: {  	s6 =	sld [smem:$0x3FAC]  }
0x2c: {  	s7 =	sld [smem:$0x3FAD]  }
0x2d: {  	s3 =	simm.s32 $0x108;
	s8 =	sld [smem:$0x3FAE]  }
0x2e: {  	s3 =	simm.s32 @!p0 $0x1082;
	s9 =	sld [smem:$0x3FAF]  }
0x2f: {  	lr =	sadd.s32 s0, s3;
	s0 =	sld [smem:$0x3FA6]  }
0x30: {  	s3 =	sld [smem:$0x3FA9]  }
0x31: {  	[smem:$0x3FB2] =	sst s10  }
0x32: {  	s10 =	sld [smem:$0x3FB0];
	_ =	sdelay $0x3  }
0x33: {  	p0 =	seq.s32 s10, $0x1;
	s10 =	sld [smem:$0x3FB2];
	_ =	sdelay $0x3  }
0x34: {  	[smem:$0x3FB2] =	sst s10  }
0x35: {  	s10 =	sld [smem:$0x3FB1];
	_ =	sdelay $0x3  }
0x36: {  	p1 =	seq.s32 s10, $0x1;
	s10 =	sld [smem:$0x3FB2];
	_ =	sdelay $0x3  }
0x37: {  	[smem:$0x3FB2] =	sst s10  }
0x38: {  	s10 =	sld [smem:$0x3FB3]  }
0x39: {  	_ = 	snop;
	(pc) =	sbr.ind lr, $3  }
0x3a: {  	_ = 	snop  }
0x3b: {  	_ = 	snop  }
0x3c: {  	p2 =	seq.s32 s10, $0x1;
	s10 =	sld [smem:$0x3FB2]  }
0x3d: {  	_ =	shalt  }
0x3e: {  	_ =	shalt  }
0x3f: {  	_ =	shalt  }
0x40: {  	_ =	shalt  }
0x41: {  	_ =	shalt  }
0x42: {  	_ =	shalt  }
0x43: {  	_ =	shalt  }
0x44: {  	_ =	shalt  }
0x45: {  	_ =	shalt  }
0x46: {  	_ =	shalt  }
0x47: {  	_ =	shalt  }
0x48: {  	_ =	shalt  }
0x49: {  	_ =	shalt  }
0x4a: {  	_ =	shalt  }
0x4b: {  	_ =	shalt  }
0x4c: {  	_ =	shalt  }
0x4d: {  	_ =	shalt  }
0x4e: {  	_ =	shalt  }
0x4f: {  	_ =	shalt  }
0x50: {  	_ =	shalt  }
0x51: {  	_ =	shalt  }
0x52: {  	_ =	shalt  }
0x53: {  	_ =	shalt  }
0x54: {  	_ =	shalt  }
0x55: {  	_ =	shalt  }
0x56: {  	_ =	shalt  }
0x57: {  	_ =	shalt  }
0x58: {  	_ =	shalt  }
0x59: {  	_ =	shalt  }
0x5a: {  	_ =	shalt  }
0x5b: {  	_ =	shalt  }
0x5c: {  	_ =	shalt  }
0x5d: {  	_ =	shalt  }
0x5e: {  	_ =	shalt  }
0x5f: {  	_ =	shalt  }
0x60: {  	_ =	shalt  }
0x61: {  	_ =	shalt  }
0x62: {  	_ =	shalt  }
0x63: {  	_ =	shalt  }
0x64: {  	_ =	shalt  }
0x65: {  	_ =	shalt  }
0x66: {  	_ =	shalt  }
0x67: {  	_ =	shalt  }
0x68: {  	_ =	shalt  }
0x69: {  	_ =	shalt  }
0x6a: {  	_ =	shalt  }
0x6b: {  	_ =	shalt  }
0x6c: {  	_ =	shalt  }
0x6d: {  	_ =	shalt  }
0x6e: {  	_ =	shalt  }
0x6f: {  	_ =	shalt  }
0x70: {  	_ =	shalt  }
0x71: {  	_ =	shalt  }
0x72: {  	_ =	shalt  }
0x73: {  	_ =	shalt  }
0x74: {  	_ =	shalt  }
0x75: {  	_ =	shalt  }
0x76: {  	_ =	shalt  }
0x77: {  	_ =	shalt  }
0x78: {  	_ =	shalt  }
0x79: {  	_ =	shalt  }
0x7a: {  	_ =	shalt  }
0x7b: {  	_ =	shalt  }
0x7c: {  	_ =	shalt  }
0x7d: {  	_ =	shalt  }
0x7e: {  	_ =	shalt  }
0x7f: {  	_ =	shalt  }
0x80: {  	_ =	shalt  }
0x81: {  	_ =	shalt  }
0x82: {  	_ =	shalt  }
0x83: {  	_ =	shalt  }
0x84: {  	_ =	shalt  }
0x85: {  	_ =	shalt  }
0x86: {  	_ =	shalt  }
0x87: {  	_ =	shalt  }
.Lfunc_end0:
.L_simem_size_0:
called_computation_lowered:
.L_overlay_start_0:
0x88: {  	s2 =	sld [smem:$0x3FD9]  }
0x89: {  	s3 =	sld [smem:$0x3FFE];
	_ =	sdelay $0x1  }
0x8a: {  	s1 =	srdreg.scid  }
0x8b: {  	s0 =	sand.u32 $0x1, s1  }
0x8c: {  	s14 =	sshll.u32 s0, $0xA;
	s2 =	sadd.s32 s3, s2  }
0x8d: {  	s2 =	sadd.s32 s2, s14  }
0x8e: {  	[smem:$0x3FBE] =	sst s2  }
0x8f: {  	_ = 	snop  }
0x90: {  	s2 =	sld [smem:$0x3FD0];
	_ =	sdelay $0x2  }
0x91: {  	s15 =	simm.s32 $0xA;
	s4 =	simm.s32 $0x10  }
0x92: {  	[smem:s4], [sflag:s15] =	dma.local [hbm:s2], $0x1  }
0x93: {  	_ =	swait.eq [sflag:s15], $0x1  }
0x94: {  	[sflag:s15] =	ssyncset.done $0x0  }
0x95: {  	[sflag:s15] =	ssyncadd.s32 $0xFFFFFFFF  }
0x96: {  	s16 =	sld [smem:$0x11];
	(tm) =	ssettm $0x1  }
0x97: {  	s17 =	sld [smem:$0x3FFB];
	_ =	sdelay $0x3  }
0x98: {  	_ =	strace s17  }
0x99: {  	s3 =	sld [smem:$0x3FFC];
	_ =	sdelay $0x3  }
0x9a: {  	_ =	strace s3  }
0x9b: {  	s3 =	sld [smem:$0x3FFD];
	_ =	sdelay $0x3  }
0x9c: {  	_ =	strace s3  }
0x9d: {  	_ =	strace $0x8FFFFFFF  }
0x9e: {  	s18 =	sld [smem:$0x3FDB];
	_ =	sdelay $0x1  }
0x9f: {  	s19 =	simm.s32 $_scs_section_size  }
0xa0: {  	s5 =	simm.s32 $_size__tile_overlayer_lowered;
	s6 =	simm.s32 $_tile_overlayer_lowered  }
0xa1: {  	s22 =	simm.s32 $0x1BFF;
	s21 =	sshll.u32 s6, $0x1;
	s3 =	sadd.s32 s19, s18  }
0xa2: {  	s7 =	simm.s32 $0x0;
	s20 =	sshll.u32 s5, $0x1;
	s5 =	sadd.s32 s21, s3  }
0xa3: {  	[timem:s7], [sflag:s22] =	dma.local [hbm:s5], s20  }
0xa4: {  	_ =	swait.ge [sflag:s22], s20  }
0xa5: {  	s4 =	ssub.s32 $0x0, s20;
	[sflag:s22] =	ssyncset.done $0x0  }
0xa6: {  	[sflag:s22] =	ssyncadd.s32 s4;
	_ =	sdelay $0x1  }
0xa7: {  	s23 =	simm.s32 $0x1B8B  }
0xa8: {  	_ =	swait.ge [sflag:s23], $0x1  }
0xa9: {  	[sflag:s23] =	ssyncset.done $0x0  }
0xaa: {  	s25 =	simm.s32 $0x1B8E;
	s24 =	sld [smem:$0x3FFE];
	[sflag:s23] =	ssyncadd.s32 $0xFFFFFFFF  }
0xab: {  	s26 =	simm.s32 $execute0_lowered;
	[smem:$0x3FD2] =	sst s25  }
0xac: {  	s5 =	sshll.u32 s26, $0x1;
	_ =	strace $0x80000046;
	[dreg:$0x1] =	wrdreg $0xFFFFFFFF  }
0xad: {  	s28 =	simm.s32 $_size_execute0_lowered;
	s3 =	sadd.s32 s3, s5;
	[dreg:$0x0] =	wrdreg $0x0  }
0xae: {  	s5 =	sshll.u32 s28, $0x1;
	[dreg:$0x2] =	wrdreg s3  }
0xaf: {  	[dreg:$0x3] =	wrdreg s5  }
0xb0: {  	[dreg:$0x4] =	wrdreg $0xC0  }
0xb1: {  	_ =	task [dreg:s7], $0x5FFFF  }
0xb2: {  	[dreg:$0x1] =	wrdreg $0xFFFFFFFF  }
0xb3: {  	[dreg:$0x0] =	wrdreg $0x60  }
0xb4: {  	[dreg:$0x2] =	wrdreg s24  }
0xb5: {  	[dreg:$0x3] =	wrdreg s16  }
0xb6: {  	[dreg:$0x4] =	wrdreg $0x9  }
0xb7: {  	_ =	task.clear_ibuf [dreg:s7], $0x5FFFF;
	_ =	strace $0x90000046  }
0xb8: {  	s29 =	simm.s32 $0x9;
	_ =	strace $0x80000048  }
0xb9: {  	_ =	swait.ge [sflag:s29], $0x1  }
0xba: {  	[sflag:s29] =	ssyncadd.s32 $0xFFFFFFFF  }
0xbb: {  	_ =	strace $0x90000048  }
0xbc: {  	_ =	sfence  }
0xbd: {  	s30 =	sld [smem:$0x0];
	_ =	sdelay $0x2  }
0xbe: {  	s31 =	sshll.u32 s1, $0xD;
	s1 =	sshrl.u32 s1, $0x2  }
0xbf: {  	s3 =	sand.u32 $0x4000, s31;
	s1 =	sadd.s32 s1, s30  }
0xc0: {  	s0 =	sor.u32 s3, s0;
	s1 =	sshll.u32 s1, $0x11  }
0xc1: {  	s0 =	sor.u32 s1, s0  }
0xc2: {  	s0 =	sadd.s32 $0x8F2B, s0  }
0xc3: {  	[sflag:s0] =	ssyncadd.remote.s32 $0x1  }
0xc4: {  	_ =	sfence.sel $0xFFFF  }
0xc5: {  	[dreg:$0x0] =	wrdreg $0xFFFFFFFF;
	(pc) =	sbr.abs _section_cstart, $3  }
0xc6: {  	[dreg:$0x1] =	wrdreg $0xFFFFFFFF  }
0xc7: {  	_ =	task.clear_ibuf [dreg:s7], $0x2FFFF;
	_ =	strace $0x9FFFFFFF  }
0xc8: {  	(tm) =	ssettm $0x7FFFFFFF  }
0xc9: {  	_ =	shalt  }
tec
execute0_lowered:
.L_overlay_start_1:
0x0: {  	(tag) =	ssettag $0x1  }
0x1: {  	s1 =	srdreg.scid  }
0x2: {  	s0 =	stileid.u32;
	s2 =	rddreg [dreg:$0x0]  }
0x3: {  	s3 =	rddreg [dreg:$0x1];
	s4 =	simm.s32 $0x0;
	s11 =	simm.s32 $0x2  }
0x4: {  	s12 =	simm.s32 $0x7D0;
	s5 =	sand.u32 $0x1, s1;
	s6 =	smul.u32 $0x186A0, s0  }
0x5: {  	s13 =	simm.s32 $0x800;
	s14 =	simm.s32 $0x1;
	s7 =	smul.u32 $0xC350, s5  }
0x6: {  	s15 =	simm.s32 $0x1000;
	s16 =	simm.s32 $0x1800;
	s17 =	simm.s32 $0x0  }
0x7: {  	s1 =	rddreg [dreg:$0x2];
	s29 =	ssub.s32 $0x2, s5;
	s6 =	sadd.s32 s7, s6  }
0x8: {  	[smem:$0x7FF] =	sst s4;
	s31 =	sshrl.u32 s29, $0x1;
	s30 =	sshrl.u32 s6, $0x3  }
0x9: {  	_ =	strace $0x80000047;
	s6 =	ssub.s32 s29, s31;
	s10 =	sadd.s32 s30, s2  }
0xa: {  	s5 =	sadd.s32 $0x1A00, s2;
	s6 =	smax.u32 s6, $0x1;
	s7 =	sadd.s32 $0x95E00, s10  }
0xb: {  	s8 =	sadd.s32 $0x65000, s10;
	s9 =	sadd.s32 $0x34200, s10;
	s10 =	sadd.s32 $0x3400, s10  }
.LBB2_1:
0xc: {  	s18 =	sadd.s32 $0x0, s10  }
0xd: {  	[tilespmem:s4], [sflag:$0x2] =	stream.linear.gather [hbm4b:s18+s4], $0x7D0, $0x38;
	[tilespmem:$0x2000] =	vst v63  }
0xe: {  	_ =	swait.ge [sflag:s11], $0x7D0  }
0xf: {  	[sflag:s11] =	ssyncset.done $0x0  }
0x10: {  	[sflag:s11] =	ssyncadd.s32 $0xFFFFF830  }
0x11: {  	[tilespmem:s13], [sflag:$0x1] =	stream.indirect.gather [hbm4b:s5+s12], $0x1, s4, s12, $0xb8;
	[tilespmem:$0x2000] =	vst v63  }
0x12: {  	_ =	swait.ge [sflag:s14], $0x7D0  }
0x13: {  	[sflag:s14] =	ssyncset.done $0x0  }
0x14: {  	[sflag:s14] =	ssyncadd.s32 $0xFFFFF830  }
0x15: {  	[tilespmem:s15], [sflag:$0x1] =	stream.indirect.gather [hbm4b:s2+s12], $0x1, s4, s12, $0xb8;
	[tilespmem:$0x2000] =	vst v63  }
0x16: {  	_ =	swait.ge [sflag:s14], $0x7D0  }
0x17: {  	[sflag:s14] =	ssyncset.done $0x0  }
0x18: {  	[sflag:s14] =	ssyncadd.s32 $0xFFFFF830  }
0x19: {  	[tilespmem:s16], [sflag:$0x1] =	stream.indirect.gather [hbm4b:s3+s12], $0x1, s4, s12, $0xb8;
	[tilespmem:$0x2000] =	vst v63  }
0x1a: {  	_ =	swait.ge [sflag:s14], $0x7D0  }
0x1b: {  	[sflag:s14] =	ssyncset.done $0x0  }
0x1c: {  	s29 =	sadd.s32 $0x0, s9;
	[sflag:s14] =	ssyncadd.s32 $0xFFFFF830  }
0x1d: {  	[hbm4b:s29+s4] =	stream.linear.scatter [tilespmem:s13], [sflag:$0x2], $0x7D0, $0x38;
	[tilespmem:$0x2000] =	vst v63  }
0x1e: {  	_ =	swait.ge [sflag:s11], $0x7D0  }
0x1f: {  	[sflag:s11] =	ssyncset.done $0x0  }
0x20: {  	s30 =	sadd.s32 $0x0, s8;
	[sflag:s11] =	ssyncadd.s32 $0xFFFFF830  }
0x21: {  	[hbm4b:s30+s4] =	stream.linear.scatter [tilespmem:s15], [sflag:$0x2], $0x7D0, $0x38;
	[tilespmem:$0x2000] =	vst v63  }
0x22: {  	_ =	swait.ge [sflag:s11], $0x7D0  }
0x23: {  	[sflag:s11] =	ssyncset.done $0x0  }
0x24: {  	s31 =	sadd.s32 $0x0, s7;
	[sflag:s11] =	ssyncadd.s32 $0xFFFFF830  }
0x25: {  	[hbm4b:s31+s4] =	stream.linear.scatter [tilespmem:s16], [sflag:$0x2], $0x7D0, $0x38;
	[tilespmem:$0x2000] =	vst v63  }
0x26: {  	_ =	swait.ge [sflag:s11], $0x7D0  }
0x27: {  	s19 =	simm.s32 $0x1F4;
	s18 =	simm.s32 $0xFA;
	[sflag:s11] =	ssyncset.done $0x0  }
.LBB2_2:
0x28: {  	s20 =	sadd.s32 s18, s10  }
0x29: {  	[sflag:s11] =	ssyncadd.s32 $0xFFFFF830;
	s21 =	smov.u32 s19;
	s22 =	sadd.s32 $0xFA, s19  }
0x2a: {  	[tilespmem:s4], [sflag:$0x2] =	stream.linear.gather [hbm4b:s20+s4], $0x7D0, $0x38;
	[tilespmem:$0x2000] =	vst v63  }
0x2b: {  	p0 =	sne.s32 s19, $0x1770;
	_ =	swait.ge [sflag:s11], $0x7D0  }
0x2c: {  	[sflag:s11] =	ssyncset.done $0x0  }
0x2d: {  	[sflag:s11] =	ssyncadd.s32 $0xFFFFF830  }
0x2e: {  	[tilespmem:s13], [sflag:$0x1] =	stream.indirect.gather [hbm4b:s5+s12], $0x1, s4, s12, $0xb8;
	[tilespmem:$0x2000] =	vst v63  }
0x2f: {  	_ =	swait.ge [sflag:s14], $0x7D0  }
0x30: {  	[sflag:s14] =	ssyncset.done $0x0  }
0x31: {  	[sflag:s14] =	ssyncadd.s32 $0xFFFFF830  }
0x32: {  	[tilespmem:s15], [sflag:$0x1] =	stream.indirect.gather [hbm4b:s2+s12], $0x1, s4, s12, $0xb8;
	[tilespmem:$0x2000] =	vst v63  }
0x33: {  	_ =	swait.ge [sflag:s14], $0x7D0  }
0x34: {  	[sflag:s14] =	ssyncset.done $0x0  }
0x35: {  	[sflag:s14] =	ssyncadd.s32 $0xFFFFF830  }
0x36: {  	[tilespmem:s16], [sflag:$0x1] =	stream.indirect.gather [hbm4b:s3+s12], $0x1, s4, s12, $0xb8;
	[tilespmem:$0x2000] =	vst v63  }
0x37: {  	_ =	swait.ge [sflag:s14], $0x7D0  }
0x38: {  	[sflag:s14] =	ssyncset.done $0x0  }
0x39: {  	s19 =	sadd.s32 s18, s9;
	[sflag:s14] =	ssyncadd.s32 $0xFFFFF830  }
0x3a: {  	[hbm4b:s19+s4] =	stream.linear.scatter [tilespmem:s13], [sflag:$0x2], $0x7D0, $0x38;
	[tilespmem:$0x2000] =	vst v63  }
0x3b: {  	_ =	swait.ge [sflag:s11], $0x7D0  }
0x3c: {  	[sflag:s11] =	ssyncset.done $0x0  }
0x3d: {  	s19 =	sadd.s32 s18, s8;
	[sflag:s11] =	ssyncadd.s32 $0xFFFFF830  }
0x3e: {  	[hbm4b:s19+s4] =	stream.linear.scatter [tilespmem:s15], [sflag:$0x2], $0x7D0, $0x38;
	[tilespmem:$0x2000] =	vst v63  }
0x3f: {  	_ =	swait.ge [sflag:s11], $0x7D0  }
.Ltmp0:
0x40: {  	[sflag:s11] =	ssyncset.done $0x0;
	(pc) =	sbr.rel @p0 .LBB2_2-.Ltmp0, $4  }
0x41: {  	s19 =	sadd.s32 s18, s7;
	s18 =	smov.u32 s21;
	[sflag:s11] =	ssyncadd.s32 $0xFFFFF830  }
0x42: {  	[hbm4b:s19+s4] =	stream.linear.scatter [tilespmem:s16], [sflag:$0x2], $0x7D0, $0x38;
	[tilespmem:$0x2000] =	vst v63  }
0x43: {  	_ =	swait.ge [sflag:s11], $0x7D0  }
0x44: {  	s19 =	smov.u32 s22;
	[sflag:s11] =	ssyncset.done $0x0  }
0x45: {  	s19 =	sadd.s32 s18, s10;
	[sflag:s11] =	ssyncadd.s32 $0xFFFFF830  }
0x46: {  	[tilespmem:s4], [sflag:$0x2] =	stream.linear.gather [hbm4b:s19+s4], $0x7D0, $0x38;
	[tilespmem:$0x2000] =	vst v63  }
0x47: {  	_ =	swait.ge [sflag:s11], $0x7D0  }
0x48: {  	[sflag:s11] =	ssyncset.done $0x0  }
0x49: {  	[sflag:s11] =	ssyncadd.s32 $0xFFFFF830  }
0x4a: {  	[tilespmem:s13], [sflag:$0x1] =	stream.indirect.gather [hbm4b:s5+s12], $0x1, s4, s12, $0xb8;
	[tilespmem:$0x2000] =	vst v63  }
0x4b: {  	_ =	swait.ge [sflag:s14], $0x7D0  }
0x4c: {  	[sflag:s14] =	ssyncset.done $0x0  }
0x4d: {  	[sflag:s14] =	ssyncadd.s32 $0xFFFFF830  }
0x4e: {  	[tilespmem:s15], [sflag:$0x1] =	stream.indirect.gather [hbm4b:s2+s12], $0x1, s4, s12, $0xb8;
	[tilespmem:$0x2000] =	vst v63  }
0x4f: {  	_ =	swait.ge [sflag:s14], $0x7D0  }
0x50: {  	[sflag:s14] =	ssyncset.done $0x0  }
0x51: {  	[sflag:s14] =	ssyncadd.s32 $0xFFFFF830  }
0x52: {  	[tilespmem:s16], [sflag:$0x1] =	stream.indirect.gather [hbm4b:s3+s12], $0x1, s4, s12, $0xb8;
	[tilespmem:$0x2000] =	vst v63  }
0x53: {  	_ =	swait.ge [sflag:s14], $0x7D0  }
0x54: {  	[sflag:s14] =	ssyncset.done $0x0  }
0x55: {  	s29 =	sadd.s32 s18, s9;
	[sflag:s14] =	ssyncadd.s32 $0xFFFFF830  }
0x56: {  	[hbm4b:s29+s4] =	stream.linear.scatter [tilespmem:s13], [sflag:$0x2], $0x7D0, $0x38;
	[tilespmem:$0x2000] =	vst v63  }
0x57: {  	_ =	swait.ge [sflag:s11], $0x7D0  }
0x58: {  	[sflag:s11] =	ssyncset.done $0x0  }
0x59: {  	s30 =	sadd.s32 s18, s8;
	[sflag:s11] =	ssyncadd.s32 $0xFFFFF830  }
0x5a: {  	[hbm4b:s30+s4] =	stream.linear.scatter [tilespmem:s15], [sflag:$0x2], $0x7D0, $0x38;
	[tilespmem:$0x2000] =	vst v63  }
0x5b: {  	s17 =	sadd.s32 $0x1, s17;
	_ =	swait.ge [sflag:s11], $0x7D0  }
0x5c: {  	p0 =	sne.s32 s17, s6;
	[sflag:s11] =	ssyncset.done $0x0  }
.Ltmp1:
0x5d: {  	s31 =	sadd.s32 s18, s7;
	[sflag:s11] =	ssyncadd.s32 $0xFFFFF830;
	(pc) =	sbr.rel @p0 .LBB2_1-.Ltmp1, $4  }
0x5e: {  	[hbm4b:s31+s4] =	stream.linear.scatter [tilespmem:s16], [sflag:$0x2], $0x7D0, $0x38;
	[tilespmem:$0x2000] =	vst v63  }
0x5f: {  	_ =	swait.ge [sflag:s11], $0x7D0  }
0x60: {  	[sflag:s11] =	ssyncset.done $0x0  }
0x61: {  	[sflag:s11] =	ssyncadd.s32 $0xFFFFF830  }
0x62: {  	_ =	sfence.sel $0x180000  }
0x63: {  	[bflag:$0x0] =	sbarrier.arrive $0xFFFF  }
0x64: {  	p0 =	sne.s32 s0, $0x0;
	_ =	strace $0x90000047  }
0x65: {  	s0 =	sadd.s32 @!p0 $0x100000, s1;
	[bflag:$0x2] =	sbarrier.arrive $0xFFFF  }
0x66: {  	[sflag:s0] =	ssyncadd.tile.s32 @!p0 $0x1;
	_ =	shalt  }
.Lfunc_end2:
_tile_overlayer_lowered:
.L_overlay_start_2:
0x67: {  	(tag) =	ssettag $0x2  }
0x68: {  	s0 =	rddreg [dreg:$0x0];
	s2 =	stileid.u32  }
0x69: {  	s1 =	rddreg [dreg:$0x1];
	p0 =	sne.s32 s2, $0x0  }
0x6a: {  	s3 =	rddreg [dreg:$0x2];
	[bflag:$0x3] =	sbarrier.arrive $0xFFFF;
	s2 =	simm.s32 @!p0 $0x1C02  }
0x6b: {  	[timem:s3], [sflag:s2] =	dma.local @!p0 [hbm:s0], s1  }
0x6c: {  	s0 =	simm.s32 @!p0 $0x2  }
0x6d: {  	_ =	swait.ge @!p0 [sflag:s0], s1  }
0x6e: {  	s1 =	ssub.s32 @!p0 $0x0, s1;
	[sflag:s0] =	ssyncset.done @!p0 $0x0  }
0x6f: {  	[sflag:s0] =	ssyncadd.s32 @!p0 s1  }
0x70: {  	[bflag:$0x3] =	sbarrier.arrive $0xFFFF  }
0x71: {  	_ =	shalt  }

// kernel: kernel.8.cloned.1.call-start
scs
__scs_entry_jumppad:
0x0: {  	(pc) =	sbr.rel $0x88, $3  }
0x1: {  	(tag) =	ssettag $0x0;
	lr =	simm.s32 $0x1  }
0x2: {  	[smem:$0x3F97] =	sst lr;
	_ =	strace $0xD0000000  }
0x3: {  	_ = 	snop  }
0x4: {  	_ = 	snop  }
0x5: {  	_ = 	snop  }
0x6: {  	_ = 	snop  }
0x7: {  	_ = 	snop  }
__scs_overlays_trampoline_lowered:
0x8: {  	[smem:$0x3FA6] =	sst s0  }
0x9: {  	[smem:$0x3FA7] =	sst s1  }
0xa: {  	[smem:$0x3FA8] =	sst s2  }
0xb: {  	[smem:$0x3FA9] =	sst s3  }
0xc: {  	[smem:$0x3FAA] =	sst s4  }
0xd: {  	[smem:$0x3FAB] =	sst s5  }
0xe: {  	[smem:$0x3FAC] =	sst s6  }
0xf: {  	[smem:$0x3FAD] =	sst s7  }
0x10: {  	[smem:$0x3FAE] =	sst s8  }
0x11: {  	[smem:$0x3FAF] =	sst s9;
	s0 =	simm.s32 @!p0 $0x0  }
0x12: {  	s1 =	sld [smem:$0x3F95];
	s0 =	simm.s32 @p0 $0x1  }
0x13: {  	[smem:$0x3FB0] =	sst s0;
	s0 =	simm.s32 @!p1 $0x0  }
0x14: {  	s2 =	sld [smem:$0x3F94];
	s0 =	simm.s32 @p1 $0x1  }
0x15: {  	[smem:$0x3FB1] =	sst s0;
	s0 =	simm.s32 @!p2 $0x0  }
0x16: {  	s3 =	sld [smem:$0x3FDB];
	s0 =	simm.s32 @p2 $0x1  }
0x17: {  	s4 =	simm.s32 $0x1BF5;
	[smem:$0x3FB3] =	sst s0  }
0x18: {  	s0 =	sld [smem:$0x3F96];
	_ =	swait.ge [sflag:s4], $0x0  }
0x19: {  	s7 =	sld [smem:$0x3F97]  }
0x1a: {  	s8 =	sadd.s32 $0xFFFFE003, lr  }
0x1b: {  	s9 =	sadd.s32 $0xFFFFFEF7, lr;
	s5 =	simm.s32 $0xFFFFFFFF;
	p2 =	slt.u32 s8, $0xFFFFF086  }
0x1c: {  	p1 =	slt.u32 s9, $0xF7A;
	s5 =	simm.s32 @!p2 $0x0  }
0x1d: {  	s5 =	simm.s32 @p1 $0x1;
	p0 =	seq.s32 s7, s2  }
0x1e: {  	s7 =	smul.u32 @!p0 $0xF7A, s2;
	p2 =	seq.s32 @!p0 s5, $0x0  }
0x1f: {  	s9 =	smul.u32 $0xF7A, s1;
	s8 =	simm.s32 @!p0 $0x1BF5;
	p2 =	por !p2, p0  }
0x20: {  	[sflag:s8] =	ssyncset.s32 @!p0 $0xFFFFF086;
	s6 =	sadd.s32 @!p0 s3, s7;
	s7 =	simm.s32 @!p0 $0x108  }
0x21: {  	s3 =	sadd.s32 s3, s9;
	s6 =	sadd.s32 @!p0 $0x88, s6;
	s7 =	simm.s32 @p2 $0x1082  }
0x22: {  	[simem:s7], [sflag:s8] =	dma.local @!p0 [hbm:s6], $0xF7A  }
0x23: {  	s9 =	sor.u32 $0xD0000000, s2;
	s6 =	simm.s32 $0x108;
	_ =	swait.ge @!p0 [sflag:s8], $0x0  }
0x24: {  	s3 =	sadd.s32 $0x88, s3;
	s6 =	simm.s32 @!p1 $0x1082;
	[sflag:s4] =	ssyncset.s32 $0xFFFFF086  }
0x25: {  	[simem:s6], [sflag:s4] =	dma.local [hbm:s3], $0xF7A  }
0x26: {  	[smem:$0x3F97] =	sst s1;
	(tag) =	ssettag s2;
	_ =	strace s9  }
0x27: {  	s1 =	sld [smem:$0x3FA7]  }
0x28: {  	s2 =	sld [smem:$0x3FA8]  }
0x29: {  	s4 =	sld [smem:$0x3FAA]  }
0x2a: {  	p0 =	seq.s32 s5, $0x0;
	s5 =	sld [smem:$0x3FAB]  }
0x2b: {  	s6 =	sld [smem:$0x3FAC]  }
0x2c: {  	s7 =	sld [smem:$0x3FAD]  }
0x2d: {  	s3 =	simm.s32 $0x108;
	s8 =	sld [smem:$0x3FAE]  }
0x2e: {  	s3 =	simm.s32 @!p0 $0x1082;
	s9 =	sld [smem:$0x3FAF]  }
0x2f: {  	lr =	sadd.s32 s0, s3;
	s0 =	sld [smem:$0x3FA6]  }
0x30: {  	s3 =	sld [smem:$0x3FA9]  }
0x31: {  	[smem:$0x3FB2] =	sst s10  }
0x32: {  	s10 =	sld [smem:$0x3FB0];
	_ =	sdelay $0x3  }
0x33: {  	p0 =	seq.s32 s10, $0x1;
	s10 =	sld [smem:$0x3FB2];
	_ =	sdelay $0x3  }
0x34: {  	[smem:$0x3FB2] =	sst s10  }
0x35: {  	s10 =	sld [smem:$0x3FB1];
	_ =	sdelay $0x3  }
0x36: {  	p1 =	seq.s32 s10, $0x1;
	s10 =	sld [smem:$0x3FB2];
	_ =	sdelay $0x3  }
0x37: {  	[smem:$0x3FB2] =	sst s10  }
0x38: {  	s10 =	sld [smem:$0x3FB3]  }
0x39: {  	_ = 	snop;
	(pc) =	sbr.ind lr, $3  }
0x3a: {  	_ = 	snop  }
0x3b: {  	_ = 	snop  }
0x3c: {  	p2 =	seq.s32 s10, $0x1;
	s10 =	sld [smem:$0x3FB2]  }
0x3d: {  	_ =	shalt  }
0x3e: {  	_ =	shalt  }
0x3f: {  	_ =	shalt  }
0x40: {  	_ =	shalt  }
0x41: {  	_ =	shalt  }
0x42: {  	_ =	shalt  }
0x43: {  	_ =	shalt  }
0x44: {  	_ =	shalt  }
0x45: {  	_ =	shalt  }
0x46: {  	_ =	shalt  }
0x47: {  	_ =	shalt  }
0x48: {  	_ =	shalt  }
0x49: {  	_ =	shalt  }
0x4a: {  	_ =	shalt  }
0x4b: {  	_ =	shalt  }
0x4c: {  	_ =	shalt  }
0x4d: {  	_ =	shalt  }
0x4e: {  	_ =	shalt  }
0x4f: {  	_ =	shalt  }
0x50: {  	_ =	shalt  }
0x51: {  	_ =	shalt  }
0x52: {  	_ =	shalt  }
0x53: {  	_ =	shalt  }
0x54: {  	_ =	shalt  }
0x55: {  	_ =	shalt  }
0x56: {  	_ =	shalt  }
0x57: {  	_ =	shalt  }
0x58: {  	_ =	shalt  }
0x59: {  	_ =	shalt  }
0x5a: {  	_ =	shalt  }
0x5b: {  	_ =	shalt  }
0x5c: {  	_ =	shalt  }
0x5d: {  	_ =	shalt  }
0x5e: {  	_ =	shalt  }
0x5f: {  	_ =	shalt  }
0x60: {  	_ =	shalt  }
0x61: {  	_ =	shalt  }
0x62: {  	_ =	shalt  }
0x63: {  	_ =	shalt  }
0x64: {  	_ =	shalt  }
0x65: {  	_ =	shalt  }
0x66: {  	_ =	shalt  }
0x67: {  	_ =	shalt  }
0x68: {  	_ =	shalt  }
0x69: {  	_ =	shalt  }
0x6a: {  	_ =	shalt  }
0x6b: {  	_ =	shalt  }
0x6c: {  	_ =	shalt  }
0x6d: {  	_ =	shalt  }
0x6e: {  	_ =	shalt  }
0x6f: {  	_ =	shalt  }
0x70: {  	_ =	shalt  }
0x71: {  	_ =	shalt  }
0x72: {  	_ =	shalt  }
0x73: {  	_ =	shalt  }
0x74: {  	_ =	shalt  }
0x75: {  	_ =	shalt  }
0x76: {  	_ =	shalt  }
0x77: {  	_ =	shalt  }
0x78: {  	_ =	shalt  }
0x79: {  	_ =	shalt  }
0x7a: {  	_ =	shalt  }
0x7b: {  	_ =	shalt  }
0x7c: {  	_ =	shalt  }
0x7d: {  	_ =	shalt  }
0x7e: {  	_ =	shalt  }
0x7f: {  	_ =	shalt  }
0x80: {  	_ =	shalt  }
0x81: {  	_ =	shalt  }
0x82: {  	_ =	shalt  }
0x83: {  	_ =	shalt  }
0x84: {  	_ =	shalt  }
0x85: {  	_ =	shalt  }
0x86: {  	_ =	shalt  }
0x87: {  	_ =	shalt  }
.Lfunc_end0:
.L_simem_size_0:
called_computation.1_lowered:
.L_overlay_start_0:
0x88: {  	s2 =	sld [smem:$0x3FD9]  }
0x89: {  	s3 =	sld [smem:$0x3FFE];
	_ =	sdelay $0x1  }
0x8a: {  	s1 =	srdreg.scid  }
0x8b: {  	s0 =	sand.u32 $0x1, s1  }
0x8c: {  	s14 =	sshll.u32 s0, $0xA;
	s2 =	sadd.s32 s3, s2  }
0x8d: {  	s2 =	sadd.s32 s2, s14  }
0x8e: {  	[smem:$0x3FBE] =	sst s2  }
0x8f: {  	_ = 	snop  }
0x90: {  	s2 =	sld [smem:$0x3FD0];
	_ =	sdelay $0x2  }
0x91: {  	s4 =	simm.s32 $0xA;
	s5 =	simm.s32 $0x10;
	s15 =	sld [smem:$0x3FC6]  }
0x92: {  	[smem:s5], [sflag:s4] =	dma.local [hbm:s2], $0x1  }
0x93: {  	_ =	swait.eq [sflag:s4], $0x1  }
0x94: {  	[sflag:s4] =	ssyncset.done $0x0  }
0x95: {  	[sflag:s4] =	ssyncadd.s32 $0xFFFFFFFF  }
0x96: {  	s16 =	sld [smem:$0x11];
	(tm) =	ssettm $0x1  }
0x97: {  	s17 =	sld [smem:$0x3FFB];
	_ =	sdelay $0x3  }
0x98: {  	_ =	strace s17  }
0x99: {  	s4 =	sld [smem:$0x3FFC];
	_ =	sdelay $0x3  }
0x9a: {  	_ =	strace s4  }
0x9b: {  	s4 =	sld [smem:$0x3FFD];
	_ =	sdelay $0x3  }
0x9c: {  	_ =	strace s4  }
0x9d: {  	_ =	strace $0x8FFFFFFF  }
0x9e: {  	s18 =	sld [smem:$0x3FDB];
	_ =	sdelay $0x1  }
0x9f: {  	s19 =	simm.s32 $_scs_section_size  }
0xa0: {  	s6 =	simm.s32 $_size__tile_overlayer_lowered;
	s7 =	simm.s32 $_tile_overlayer_lowered  }
0xa1: {  	s22 =	simm.s32 $0x1BFF;
	s21 =	sshll.u32 s7, $0x1;
	s4 =	sadd.s32 s19, s18  }
0xa2: {  	s8 =	simm.s32 $0x0;
	s20 =	sshll.u32 s6, $0x1;
	s6 =	sadd.s32 s21, s4  }
0xa3: {  	[timem:s8], [sflag:s22] =	dma.local [hbm:s6], s20  }
0xa4: {  	_ =	swait.ge [sflag:s22], s20  }
0xa5: {  	s5 =	ssub.s32 $0x0, s20;
	[sflag:s22] =	ssyncset.done $0x0  }
0xa6: {  	[sflag:s22] =	ssyncadd.s32 s5;
	_ =	sdelay $0x1  }
0xa7: {  	s23 =	simm.s32 $0x1B8B  }
0xa8: {  	_ =	swait.ge [sflag:s23], $0x1  }
0xa9: {  	[sflag:s23] =	ssyncset.done $0x0  }
0xaa: {  	s25 =	simm.s32 $0x1B8E;
	s24 =	sld [smem:$0x3FFE];
	[sflag:s23] =	ssyncadd.s32 $0xFFFFFFFF  }
0xab: {  	s26 =	simm.s32 $execute0_lowered;
	[smem:$0x3FD2] =	sst s25  }
0xac: {  	s6 =	sshll.u32 s26, $0x1;
	_ =	strace $0x80000049;
	[dreg:$0x1] =	wrdreg $0xFFFFFFFF  }
0xad: {  	s28 =	simm.s32 $_size_execute0_lowered;
	s4 =	sadd.s32 s4, s6;
	[dreg:$0x0] =	wrdreg $0x0  }
0xae: {  	s6 =	sshll.u32 s28, $0x1;
	[dreg:$0x2] =	wrdreg s4  }
0xaf: {  	[dreg:$0x3] =	wrdreg s6  }
0xb0: {  	[dreg:$0x4] =	wrdreg $0xC0  }
0xb1: {  	_ =	task [dreg:s8], $0x5FFFF  }
0xb2: {  	[dreg:$0x1] =	wrdreg $0xFFFFFFFF  }
0xb3: {  	[dreg:$0x0] =	wrdreg $0x60  }
0xb4: {  	[dreg:$0x2] =	wrdreg s24  }
0xb5: {  	[dreg:$0x3] =	wrdreg s15  }
0xb6: {  	[dreg:$0x4] =	wrdreg s16  }
0xb7: {  	[dreg:$0x5] =	wrdreg $0x3C800  }
0xb8: {  	[dreg:$0x6] =	wrdreg $0x48B80  }
0xb9: {  	[dreg:$0x7] =	wrdreg $0x54F00  }
0xba: {  	[dreg:$0x8] =	wrdreg $0x61280  }
0xbb: {  	[dreg:$0x9] =	wrdreg $0x9  }
0xbc: {  	_ =	task.clear_ibuf [dreg:s8], $0xAFFFF;
	_ =	strace $0x90000049  }
0xbd: {  	s29 =	simm.s32 $0x9;
	_ =	strace $0x8000004B  }
0xbe: {  	_ =	swait.ge [sflag:s29], $0x1  }
0xbf: {  	[sflag:s29] =	ssyncadd.s32 $0xFFFFFFFF  }
0xc0: {  	_ =	strace $0x9000004B  }
0xc1: {  	_ =	sfence  }
0xc2: {  	s30 =	sld [smem:$0x0];
	_ =	sdelay $0x2  }
0xc3: {  	s31 =	sshll.u32 s1, $0xD;
	s1 =	sshrl.u32 s1, $0x2  }
0xc4: {  	s3 =	sand.u32 $0x4000, s31;
	s1 =	sadd.s32 s1, s30  }
0xc5: {  	s0 =	sor.u32 s3, s0;
	s1 =	sshll.u32 s1, $0x11  }
0xc6: {  	s0 =	sor.u32 s1, s0  }
0xc7: {  	s0 =	sadd.s32 $0x8F2B, s0  }
0xc8: {  	[sflag:s0] =	ssyncadd.remote.s32 $0x1  }
0xc9: {  	_ =	sfence.sel $0xFFFF  }
0xca: {  	[dreg:$0x0] =	wrdreg $0xFFFFFFFF;
	(pc) =	sbr.abs _section_cstart, $3  }
0xcb: {  	[dreg:$0x1] =	wrdreg $0xFFFFFFFF  }
0xcc: {  	_ =	task.clear_ibuf [dreg:s8], $0x2FFFF;
	_ =	strace $0x9FFFFFFF  }
0xcd: {  	(tm) =	ssettm $0x7FFFFFFF  }
tec
execute0_lowered:
.L_overlay_start_1:
0x0: {  	(tag) =	ssettag $0x1  }
0x1: {  	s2 =	rddreg [dreg:$0x0]  }
0x2: {  	s6 =	rddreg [dreg:$0x1]  }
0x3: {  	s7 =	rddreg [dreg:$0x2]  }
0x4: {  	s0 =	rddreg [dreg:$0x3]  }
0x5: {  	s1 =	rddreg [dreg:$0x4];
	s4 =	srdreg.scid  }
0x6: {  	s21 =	stileid.u32;
	s3 =	rddreg [dreg:$0x5];
	s5 =	simm.s32 $0x0  }
0x7: {  	s28 =	simm.s32 $0x2800;
	s29 =	simm.s32 $0x7D0;
	s30 =	simm.s32 $0x0  }
0x8: {  	s8 =	sand.u32 $0x1, s4;
	s9 =	smul.u32 $0x186A0, s21;
	s4 =	rddreg [dreg:$0x6]  }
0x9: {  	[smem:$0x7FF] =	sst s5;
	s22 =	smul.u32 $0xC38, s21;
	p0 =	sne.s32 s21, $0x0  }
0xa: {  	s21 =	simm.s32 $0x3000;
	s10 =	smul.u32 $0xC350, s8;
	s23 =	ssub.s32 $0x2, s8  }
0xb: {  	_ =	strace $0x8000004A;
	s11 =	smul.u32 $0x24B00, s8;
	s24 =	sshrl.u32 s23, $0x1  }
0xc: {  	s12 =	sshrl.u32 s22, $0x3;
	s8 =	sadd.s32 s22, s1;
	s9 =	sadd.s32 s10, s9  }
0xd: {  	s14 =	ssub.s32 s23, s24;
	s7 =	sadd.s32 s7, s12;
	s25 =	sadd.s32 s22, s11  }
0xe: {  	s13 =	sshrl.u32 s11, $0x3;
	s23 =	simm.s32 $0x800;
	s24 =	simm.s32 $0x1000  }
0xf: {  	s19 =	sshrl.u32 s9, $0x3;
	[dreg:$0x8] =	wrdreg s7;
	s7 =	sadd.s32 s22, s0  }
0x10: {  	s10 =	sshrl.u32 s25, $0x3;
	s9 =	sadd.s32 s22, s3;
	s14 =	smax.u32 s14, $0x1  }
0x11: {  	s22 =	simm.s32 $0x1;
	s20 =	sadd.s32 s19, s2;
	s2 =	sadd.s32 $0xF7A00, s2  }
0x12: {  	s25 =	simm.s32 $0x1800;
	s19 =	sadd.s32 s19, s6;
	s10 =	sadd.s32 s2, s10  }
0x13: {  	s2 =	sadd.s32 s2, s13;
	s15 =	sadd.s32 $0xC6C00, s20;
	s16 =	sadd.s32 $0x95E00, s20  }
0x14: {  	s17 =	sadd.s32 $0x65000, s20;
	s18 =	sadd.s32 $0x34200, s20;
	s26 =	sadd.s32 $0x1870, s10  }
0x15: {  	s20 =	sadd.s32 $0x3400, s20;
	s31 =	sadd.s32 $0x30E0, s10;
	[dreg:$0x9] =	wrdreg s26  }
0x16: {  	s13 =	sadd.s32 $0x4950, s2;
	[dreg:$0xa] =	wrdreg s31;
	s26 =	simm.s32 $0x2000  }
.LBB2_1:
0x17: {  	s2 =	rddreg [dreg:$0x8]  }
0x18: {  	[tilespmem:s21], [sflag:$0x1] =	stream.linear.gather [hbm4b:s2+s5], $0xC38, $0x38;
	[tilespmem:$0x6130] =	vst v63  }
0x19: {  	_ =	swait.ge [sflag:s22], $0xC38  }
0x1a: {  	[sflag:s22] =	ssyncset.done $0x0  }
0x1b: {  	[sflag:s22] =	ssyncadd.s32 $0xFFFFF3C8  }
0x1c: {  	[spmem:s7] =	stream.linear.scatter [tilespmem:s21], [sflag:$0x1], $0xC38, $0x38;
	[tilespmem:$0x6130] =	vst v63  }
0x1d: {  	_ =	swait.ge [sflag:s22], $0xC38  }
0x1e: {  	[sflag:s22] =	ssyncset.done $0x0  }
0x1f: {  	[sflag:s22] =	ssyncadd.s32 $0xFFFFF3C8  }
0x20: {  	[spmem:s8] =	stream.linear.scatter [tilespmem:s21], [sflag:$0x1], $0xC38, $0x38;
	[tilespmem:$0x6130] =	vst v63  }
0x21: {  	_ =	swait.ge [sflag:s22], $0xC38  }
0x22: {  	[sflag:s22] =	ssyncset.done $0x0  }
0x23: {  	[sflag:s22] =	ssyncadd.s32 $0xFFFFF3C8  }
0x24: {  	[spmem:s9] =	stream.linear.scatter [tilespmem:s21], [sflag:$0x1], $0xC38, $0x38;
	[tilespmem:$0x6130] =	vst v63  }
0x25: {  	_ =	swait.ge [sflag:s22], $0xC38  }
0x26: {  	[sflag:s22] =	ssyncset.done $0x0  }
0x27: {  	s2 =	simm.s32 @!p0 $0x3000;
	[sflag:s22] =	ssyncadd.s32 $0xFFFFF3C8  }
0x28: {  	[spmem:s4] =	stream.linear.scatter @!p0 [tilespmem:s2], [sflag:$0x1], $0x80, $0x38;
	[tilespmem:$0x6130] =	vst v63  }
0x29: {  	s2 =	simm.s32 @!p0 $0x1  }
0x2a: {  	_ =	swait.ge @!p0 [sflag:s2], $0x80  }
0x2b: {  	[sflag:s2] =	ssyncset.done @!p0 $0x0  }
0x2c: {  	[sflag:s2] =	ssyncadd.s32 @!p0 $0xFFFFFF80  }
0x2d: {  	s6 =	sadd.s32 $0x0, s20;
	[bflag:$0x0] =	sbarrier.arrive $0xFFFF  }
0x2e: {  	[tilespmem:s5], [sflag:$0x1] =	stream.linear.gather [hbm4b:s6+s5], $0x7D0, $0x38;
	[tilespmem:$0x6130] =	vst v63  }
0x2f: {  	_ =	swait.ge [sflag:s22], $0x7D0  }
0x30: {  	[sflag:s22] =	ssyncset.done $0x0  }
0x31: {  	s11 =	sadd.s32 $0x0, s19;
	[sflag:s22] =	ssyncadd.s32 $0xFFFFF830  }
0x32: {  	[tilespmem:s23], [sflag:$0x1] =	stream.linear.gather [hbm4b:s11+s5], $0x7D0, $0x38;
	[tilespmem:$0x6130] =	vst v63  }
0x33: {  	_ =	swait.ge [sflag:s22], $0x7D0  }
0x34: {  	[sflag:s22] =	ssyncset.done $0x0  }
0x35: {  	s12 =	sadd.s32 $0x0, s18;
	[sflag:s22] =	ssyncadd.s32 $0xFFFFF830  }
0x36: {  	[tilespmem:s24], [sflag:$0x1] =	stream.linear.gather [hbm4b:s12+s5], $0x7D0, $0x38;
	[tilespmem:$0x6130] =	vst v63  }
0x37: {  	_ =	swait.ge [sflag:s22], $0x7D0  }
0x38: {  	[sflag:s22] =	ssyncset.done $0x0  }
0x39: {  	s6 =	sadd.s32 $0x0, s17;
	[sflag:s22] =	ssyncadd.s32 $0xFFFFF830  }
0x3a: {  	[tilespmem:s25], [sflag:$0x1] =	stream.linear.gather [hbm4b:s6+s5], $0x7D0, $0x38;
	[tilespmem:$0x6130] =	vst v63  }
0x3b: {  	_ =	swait.ge [sflag:s22], $0x7D0  }
0x3c: {  	[sflag:s22] =	ssyncset.done $0x0  }
0x3d: {  	s11 =	sadd.s32 $0x0, s16;
	[sflag:s22] =	ssyncadd.s32 $0xFFFFF830  }
0x3e: {  	[tilespmem:s26], [sflag:$0x1] =	stream.linear.gather [hbm4b:s11+s5], $0x7D0, $0x38;
	[tilespmem:$0x6130] =	vst v63  }
0x3f: {  	_ =	swait.ge [sflag:s22], $0x7D0  }
0x40: {  	[sflag:s22] =	ssyncset.done $0x0  }
0x41: {  	s12 =	sadd.s32 $0x0, s15;
	[sflag:s22] =	ssyncadd.s32 $0xFFFFF830  }
0x42: {  	[tilespmem:s28], [sflag:$0x1] =	stream.linear.gather [hbm4b:s12+s5], $0x7D0, $0x38;
	[tilespmem:$0x6130] =	vst v63  }
0x43: {  	_ =	swait.ge [sflag:s22], $0x7D0  }
0x44: {  	[sflag:s22] =	ssyncset.done $0x0  }
0x45: {  	[sflag:s22] =	ssyncadd.s32 $0xFFFFF830  }
0x46: {  	[spmem:s0] =	stream.indirect.scatter.add.f32 [tilespmem:s24], [sflag:$0x1], $0x1, s5, s29, $0xb8;
	[tilespmem:$0x6130] =	vst v63  }
0x47: {  	_ =	swait.ge [sflag:s22], $0x7D0  }
0x48: {  	[sflag:s22] =	ssyncset.done $0x0  }
0x49: {  	[sflag:s22] =	ssyncadd.s32 $0xFFFFF830  }
0x4a: {  	[spmem:s1] =	stream.indirect.scatter.add.f32 [tilespmem:s25], [sflag:$0x1], $0x1, s5, s29, $0xb8;
	[tilespmem:$0x6130] =	vst v63  }
0x4b: {  	_ =	swait.ge [sflag:s22], $0x7D0  }
0x4c: {  	[sflag:s22] =	ssyncset.done $0x0  }
0x4d: {  	[sflag:s22] =	ssyncadd.s32 $0xFFFFF830  }
0x4e: {  	[spmem:s3] =	stream.indirect.scatter.add.f32 [tilespmem:s26], [sflag:$0x1], $0x1, s5, s29, $0xb8;
	[tilespmem:$0x6130] =	vst v63  }
0x4f: {  	_ =	swait.ge [sflag:s22], $0x7D0  }
0x50: {  	[sflag:s22] =	ssyncset.done $0x0  }
0x51: {  	[sflag:s22] =	ssyncadd.s32 $0xFFFFF830  }
0x52: {  	[spmem:s4] =	stream.indirect.scatter.add.f32 [tilespmem:s28], [sflag:$0x1], $0x1, s23, s29, $0xb8;
	[tilespmem:$0x6130] =	vst v63  }
0x53: {  	_ =	swait.ge [sflag:s22], $0x7D0  }
0x54: {  	s31 =	simm.s32 $0xFA;
	s2 =	simm.s32 $0x1F4;
	[sflag:s22] =	ssyncset.done $0x0  }
.LBB2_2:
0x55: {  	s11 =	sadd.s32 s31, s20  }
0x56: {  	[sflag:s22] =	ssyncadd.s32 $0xFFFFF830;
	s12 =	smov.u32 s2;
	s6 =	sadd.s32 $0xFA, s2  }
0x57: {  	[tilespmem:s5], [sflag:$0x1] =	stream.linear.gather [hbm4b:s11+s5], $0x7D0, $0x38;
	[tilespmem:$0x6130] =	vst v63  }
0x58: {  	p1 =	sne.s32 s2, $0x1770;
	_ =	swait.ge [sflag:s22], $0x7D0  }
0x59: {  	[sflag:s22] =	ssyncset.done $0x0  }
0x5a: {  	s2 =	sadd.s32 s31, s19;
	[sflag:s22] =	ssyncadd.s32 $0xFFFFF830  }
0x5b: {  	[tilespmem:s23], [sflag:$0x1] =	stream.linear.gather [hbm4b:s2+s5], $0x7D0, $0x38;
	[tilespmem:$0x6130] =	vst v63  }
0x5c: {  	_ =	swait.ge [sflag:s22], $0x7D0  }
0x5d: {  	[sflag:s22] =	ssyncset.done $0x0  }
0x5e: {  	s2 =	sadd.s32 s31, s18;
	[sflag:s22] =	ssyncadd.s32 $0xFFFFF830  }
0x5f: {  	[tilespmem:s24], [sflag:$0x1] =	stream.linear.gather [hbm4b:s2+s5], $0x7D0, $0x38;
	[tilespmem:$0x6130] =	vst v63  }
0x60: {  	_ =	swait.ge [sflag:s22], $0x7D0  }
0x61: {  	[sflag:s22] =	ssyncset.done $0x0  }
0x62: {  	s2 =	sadd.s32 s31, s17;
	[sflag:s22] =	ssyncadd.s32 $0xFFFFF830  }
0x63: {  	[tilespmem:s25], [sflag:$0x1] =	stream.linear.gather [hbm4b:s2+s5], $0x7D0, $0x38;
	[tilespmem:$0x6130] =	vst v63  }
0x64: {  	_ =	swait.ge [sflag:s22], $0x7D0  }
0x65: {  	[sflag:s22] =	ssyncset.done $0x0  }
0x66: {  	s2 =	sadd.s32 s31, s16;
	[sflag:s22] =	ssyncadd.s32 $0xFFFFF830  }
0x67: {  	[tilespmem:s26], [sflag:$0x1] =	stream.linear.gather [hbm4b:s2+s5], $0x7D0, $0x38;
	[tilespmem:$0x6130] =	vst v63  }
0x68: {  	_ =	swait.ge [sflag:s22], $0x7D0  }
0x69: {  	[sflag:s22] =	ssyncset.done $0x0  }
0x6a: {  	s2 =	sadd.s32 s31, s15;
	s31 =	smov.u32 s12;
	[sflag:s22] =	ssyncadd.s32 $0xFFFFF830  }
0x6b: {  	[tilespmem:s28], [sflag:$0x1] =	stream.linear.gather [hbm4b:s2+s5], $0x7D0, $0x38;
	[tilespmem:$0x6130] =	vst v63  }
0x6c: {  	_ =	swait.ge [sflag:s22], $0x7D0  }
0x6d: {  	[sflag:s22] =	ssyncset.done $0x0  }
0x6e: {  	[sflag:s22] =	ssyncadd.s32 $0xFFFFF830  }
0x6f: {  	[spmem:s0] =	stream.indirect.scatter.add.f32 [tilespmem:s24], [sflag:$0x1], $0x1, s5, s29, $0xb8;
	[tilespmem:$0x6130] =	vst v63  }
0x70: {  	_ =	swait.ge [sflag:s22], $0x7D0  }
0x71: {  	[sflag:s22] =	ssyncset.done $0x0  }
0x72: {  	[sflag:s22] =	ssyncadd.s32 $0xFFFFF830  }
0x73: {  	[spmem:s1] =	stream.indirect.scatter.add.f32 [tilespmem:s25], [sflag:$0x1], $0x1, s5, s29, $0xb8;
	[tilespmem:$0x6130] =	vst v63  }
0x74: {  	_ =	swait.ge [sflag:s22], $0x7D0  }
0x75: {  	[sflag:s22] =	ssyncset.done $0x0  }
0x76: {  	[sflag:s22] =	ssyncadd.s32 $0xFFFFF830  }
0x77: {  	[spmem:s3] =	stream.indirect.scatter.add.f32 [tilespmem:s26], [sflag:$0x1], $0x1, s5, s29, $0xb8;
	[tilespmem:$0x6130] =	vst v63  }
0x78: {  	_ =	swait.ge [sflag:s22], $0x7D0  }
.Ltmp0:
0x79: {  	[sflag:s22] =	ssyncset.done $0x0;
	(pc) =	sbr.rel @p1 .LBB2_2-.Ltmp0, $4  }
0x7a: {  	[sflag:s22] =	ssyncadd.s32 $0xFFFFF830  }
0x7b: {  	[spmem:s4] =	stream.indirect.scatter.add.f32 [tilespmem:s28], [sflag:$0x1], $0x1, s23, s29, $0xb8;
	[tilespmem:$0x6130] =	vst v63  }
0x7c: {  	_ =	swait.ge [sflag:s22], $0x7D0  }
0x7d: {  	s2 =	smov.u32 s6;
	[sflag:s22] =	ssyncset.done $0x0  }
0x7e: {  	s2 =	sadd.s32 s31, s20;
	[sflag:s22] =	ssyncadd.s32 $0xFFFFF830  }
0x7f: {  	[tilespmem:s5], [sflag:$0x1] =	stream.linear.gather [hbm4b:s2+s5], $0x7D0, $0x38;
	[tilespmem:$0x6130] =	vst v63  }
0x80: {  	_ =	swait.ge [sflag:s22], $0x7D0  }
0x81: {  	[sflag:s22] =	ssyncset.done $0x0  }
0x82: {  	s6 =	sadd.s32 s31, s19;
	[sflag:s22] =	ssyncadd.s32 $0xFFFFF830  }
0x83: {  	[tilespmem:s23], [sflag:$0x1] =	stream.linear.gather [hbm4b:s6+s5], $0x7D0, $0x38;
	[tilespmem:$0x6130] =	vst v63  }
0x84: {  	_ =	swait.ge [sflag:s22], $0x7D0  }
0x85: {  	[sflag:s22] =	ssyncset.done $0x0  }
0x86: {  	s11 =	sadd.s32 s31, s18;
	[sflag:s22] =	ssyncadd.s32 $0xFFFFF830  }
0x87: {  	[tilespmem:s24], [sflag:$0x1] =	stream.linear.gather [hbm4b:s11+s5], $0x7D0, $0x38;
	[tilespmem:$0x6130] =	vst v63  }
0x88: {  	_ =	swait.ge [sflag:s22], $0x7D0  }
0x89: {  	[sflag:s22] =	ssyncset.done $0x0  }
0x8a: {  	s12 =	sadd.s32 s31, s17;
	[sflag:s22] =	ssyncadd.s32 $0xFFFFF830  }
0x8b: {  	[tilespmem:s25], [sflag:$0x1] =	stream.linear.gather [hbm4b:s12+s5], $0x7D0, $0x38;
	[tilespmem:$0x6130] =	vst v63  }
0x8c: {  	_ =	swait.ge [sflag:s22], $0x7D0  }
0x8d: {  	[sflag:s22] =	ssyncset.done $0x0  }
0x8e: {  	s6 =	sadd.s32 s31, s16;
	[sflag:s22] =	ssyncadd.s32 $0xFFFFF830  }
0x8f: {  	[tilespmem:s26], [sflag:$0x1] =	stream.linear.gather [hbm4b:s6+s5], $0x7D0, $0x38;
	[tilespmem:$0x6130] =	vst v63  }
0x90: {  	_ =	swait.ge [sflag:s22], $0x7D0  }
0x91: {  	[sflag:s22] =	ssyncset.done $0x0  }
0x92: {  	s11 =	sadd.s32 s31, s15;
	[sflag:s22] =	ssyncadd.s32 $0xFFFFF830  }
0x93: {  	[tilespmem:s28], [sflag:$0x1] =	stream.linear.gather [hbm4b:s11+s5], $0x7D0, $0x38;
	[tilespmem:$0x6130] =	vst v63  }
0x94: {  	_ =	swait.ge [sflag:s22], $0x7D0  }
0x95: {  	[sflag:s22] =	ssyncset.done $0x0  }
0x96: {  	[sflag:s22] =	ssyncadd.s32 $0xFFFFF830  }
0x97: {  	[spmem:s0] =	stream.indirect.scatter.add.f32 [tilespmem:s24], [sflag:$0x1], $0x1, s5, s29, $0xb8;
	[tilespmem:$0x6130] =	vst v63  }
0x98: {  	_ =	swait.ge [sflag:s22], $0x7D0  }
0x99: {  	[sflag:s22] =	ssyncset.done $0x0  }
0x9a: {  	[sflag:s22] =	ssyncadd.s32 $0xFFFFF830  }
0x9b: {  	[spmem:s1] =	stream.indirect.scatter.add.f32 [tilespmem:s25], [sflag:$0x1], $0x1, s5, s29, $0xb8;
	[tilespmem:$0x6130] =	vst v63  }
0x9c: {  	_ =	swait.ge [sflag:s22], $0x7D0  }
0x9d: {  	[sflag:s22] =	ssyncset.done $0x0  }
0x9e: {  	[sflag:s22] =	ssyncadd.s32 $0xFFFFF830  }
0x9f: {  	[spmem:s3] =	stream.indirect.scatter.add.f32 [tilespmem:s26], [sflag:$0x1], $0x1, s5, s29, $0xb8;
	[tilespmem:$0x6130] =	vst v63  }
0xa0: {  	_ =	swait.ge [sflag:s22], $0x7D0  }
0xa1: {  	[sflag:s22] =	ssyncset.done $0x0  }
0xa2: {  	[sflag:s22] =	ssyncadd.s32 $0xFFFFF830  }
0xa3: {  	[spmem:s4] =	stream.indirect.scatter.add.f32 [tilespmem:s28], [sflag:$0x1], $0x1, s23, s29, $0xb8;
	[tilespmem:$0x6130] =	vst v63  }
0xa4: {  	_ =	swait.ge [sflag:s22], $0x7D0  }
0xa5: {  	[sflag:s22] =	ssyncset.done $0x0  }
0xa6: {  	[sflag:s22] =	ssyncadd.s32 $0xFFFFF830  }
0xa7: {  	[bflag:$0x0] =	sbarrier.arrive $0xFFFF  }
0xa8: {  	[tilespmem:s21], [sflag:$0x1] =	stream.linear.gather [spmem:s7], $0xC38, $0x38;
	[tilespmem:$0x6130] =	vst v63  }
0xa9: {  	_ =	swait.ge [sflag:s22], $0xC38  }
0xaa: {  	[sflag:s22] =	ssyncset.done $0x0  }
0xab: {  	[sflag:s22] =	ssyncadd.s32 $0xFFFFF3C8  }
0xac: {  	[hbm4b:s10+s5] =	stream.linear.scatter [tilespmem:s21], [sflag:$0x1], $0xC38, $0x38;
	[tilespmem:$0x6130] =	vst v63  }
0xad: {  	_ =	swait.ge [sflag:s22], $0xC38  }
0xae: {  	[sflag:s22] =	ssyncset.done $0x0  }
0xaf: {  	[sflag:s22] =	ssyncadd.s32 $0xFFFFF3C8  }
0xb0: {  	[tilespmem:s21], [sflag:$0x1] =	stream.linear.gather [spmem:s8], $0xC38, $0x38;
	[tilespmem:$0x6130] =	vst v63  }
0xb1: {  	_ =	swait.ge [sflag:s22], $0xC38  }
0xb2: {  	[sflag:s22] =	ssyncset.done $0x0  }
0xb3: {  	s12 =	rddreg [dreg:$0x9];
	[sflag:s22] =	ssyncadd.s32 $0xFFFFF3C8  }
0xb4: {  	[hbm4b:s12+s5] =	stream.linear.scatter [tilespmem:s21], [sflag:$0x1], $0xC38, $0x38;
	[tilespmem:$0x6130] =	vst v63  }
0xb5: {  	_ =	swait.ge [sflag:s22], $0xC38  }
0xb6: {  	[sflag:s22] =	ssyncset.done $0x0  }
0xb7: {  	[sflag:s22] =	ssyncadd.s32 $0xFFFFF3C8  }
0xb8: {  	[tilespmem:s21], [sflag:$0x1] =	stream.linear.gather [spmem:s9], $0xC38, $0x38;
	[tilespmem:$0x6130] =	vst v63  }
0xb9: {  	_ =	swait.ge [sflag:s22], $0xC38  }
0xba: {  	[sflag:s22] =	ssyncset.done $0x0  }
0xbb: {  	s31 =	rddreg [dreg:$0xa];
	[sflag:s22] =	ssyncadd.s32 $0xFFFFF3C8  }
0xbc: {  	[hbm4b:s31+s5] =	stream.linear.scatter [tilespmem:s21], [sflag:$0x1], $0xC38, $0x38;
	[tilespmem:$0x6130] =	vst v63  }
0xbd: {  	_ =	swait.ge [sflag:s22], $0xC38  }
0xbe: {  	[sflag:s22] =	ssyncset.done $0x0  }
0xbf: {  	s2 =	simm.s32 @!p0 $0x3000;
	s6 =	simm.s32 @!p0 $0x1;
	[sflag:s22] =	ssyncadd.s32 $0xFFFFF3C8  }
0xc0: {  	[tilespmem:s2], [sflag:$0x1] =	stream.linear.gather @!p0 [spmem:s4], $0x80, $0x38;
	[tilespmem:$0x6130] =	vst v63  }
0xc1: {  	s30 =	sadd.s32 $0x1, s30;
	_ =	swait.ge @!p0 [sflag:s6], $0x80  }
0xc2: {  	p1 =	sne.s32 s30, s14;
	[sflag:s6] =	ssyncset.done @!p0 $0x0  }
.Ltmp1:
0xc3: {  	s11 =	simm.s32 @!p0 $0x0;
	[sflag:s6] =	ssyncadd.s32 @!p0 $0xFFFFFF80;
	(pc) =	sbr.rel @p1 .LBB2_1-.Ltmp1, $4  }
0xc4: {  	[hbm4b:s13+s11] =	stream.linear.scatter @!p0 [tilespmem:s2], [sflag:$0x1], $0x80, $0x38;
	[tilespmem:$0x6130] =	vst v63  }
0xc5: {  	_ =	swait.ge @!p0 [sflag:s6], $0x80  }
0xc6: {  	[sflag:s6] =	ssyncset.done @!p0 $0x0  }
0xc7: {  	[sflag:s6] =	ssyncadd.s32 @!p0 $0xFFFFFF80  }
0xc8: {  	_ =	sfence.sel $0x180000  }
0xc9: {  	[bflag:$0x0] =	sbarrier.arrive $0xFFFF  }
0xca: {  	_ =	strace $0x9000004A  }
0xcb: {  	[bflag:$0x2] =	sbarrier.arrive $0xFFFF  }
0xcc: {  	s0 =	rddreg [dreg:$0x7]  }
0xcd: {  	s0 =	sadd.s32 @!p0 $0x100000, s0  }
0xce: {  	[sflag:s0] =	ssyncadd.tile.s32 @!p0 $0x1;
	_ =	shalt  }
.Lfunc_end2:
_tile_overlayer_lowered:
.L_overlay_start_2:
0xcf: {  	(tag) =	ssettag $0x2  }
0xd0: {  	s0 =	rddreg [dreg:$0x0];
	s2 =	stileid.u32  }
0xd1: {  	s1 =	rddreg [dreg:$0x1];
	p0 =	sne.s32 s2, $0x0  }
0xd2: {  	s3 =	rddreg [dreg:$0x2];
	[bflag:$0x3] =	sbarrier.arrive $0xFFFF;
	s2 =	simm.s32 @!p0 $0x1C01  }
0xd3: {  	[timem:s3], [sflag:s2] =	dma.local @!p0 [hbm:s0], s1  }
0xd4: {  	s0 =	simm.s32 @!p0 $0x1  }
0xd5: {  	_ =	swait.ge @!p0 [sflag:s0], s1  }
0xd6: {  	s1 =	ssub.s32 @!p0 $0x0, s1;
	[sflag:s0] =	ssyncset.done @!p0 $0x0  }
0xd7: {  	[sflag:s0] =	ssyncadd.s32 @!p0 s1  }
0xd8: {  	[bflag:$0x3] =	sbarrier.arrive $0xFFFF  }
0xd9: {  	_ =	shalt  }

</sc_bundles>
